<compile_context>
chip_gen: v7x
topology: tpu7x:2x2x1
jax: 0.10.2.dev20260603
libtpu: 0.0.44.dev20260713+nightly
codegen_flags: <defaults>
</compile_context>

<pallas_src>
import functools

import jax
import jax.numpy as jnp
from jax import lax
from jax.experimental import pallas as pl
from jax.experimental.pallas import tpu as pltpu
from jax.experimental.pallas import tpu_sc as plsc

N = 320000
D = 128
NUM_SEG = 10000
SEG_PAD = 10240
GROUP = 128
NGROUPS = N // GROUP
LANES = 16

_info = plsc.get_sparse_core_info()
NC = _info.num_cores
NS = _info.num_subcores
NW = NC * NS
SEG_PER_TILE = SEG_PAD // NS
TRIPS = -(-NGROUPS // NW)
TRIPS += TRIPS % 2


def _phase1_body(x_hbm, seg_hbm, zsum_hbm, sums_hbm, cnts_hbm,
                 dbuf0, dbuf1, idx0, idx1, idx2, idx3, ones_v, zcnt,
                 acc_sp, cnt_sp,
                 sem_d0, sem_d1, sem_i0, sem_i1, sem_i2, sem_i3):
    c = lax.axis_index("c")
    s = lax.axis_index("s")
    wid = s * NC + c

    zero16 = jnp.zeros((LANES,), jnp.float32)
    one16 = jnp.ones((LANES,), jnp.float32)

    def init_zcnt(i, _):
        zcnt[pl.ds(i * LANES, LANES)] = zero16
        return 0
    lax.fori_loop(0, SEG_PER_TILE // LANES, init_zcnt, 0)

    def init_ones(i, _):
        ones_v[pl.ds(i * LANES, LANES)] = one16
        return 0
    lax.fori_loop(0, GROUP // LANES, init_ones, 0)

    gs = (wid * NGROUPS) // NW
    ge = ((wid + 1) * NGROUPS) // NW
    ng = ge - gs

    dbufs = (dbuf0, dbuf1)
    sem_ds = (sem_d0, sem_d1)
    idxs = (idx0, idx1, idx2, idx3)
    sem_is = (sem_i0, sem_i1, sem_i2, sem_i3)

    def start(i, dbuf_b, sem_d, idx_b, sem_i):
        gi = jnp.where(i < ng, gs + i, gs)
        off = gi * GROUP
        pltpu.async_copy(x_hbm.at[pl.ds(off, GROUP)], dbuf_b, sem_d)
        pltpu.async_copy(seg_hbm.at[pl.ds(off, GROUP)], idx_b, sem_i)

    def step(i, j):
        dbuf_b, sem_d = dbufs[j % 2], sem_ds[j % 2]
        idx_b, sem_i = idxs[j % 4], sem_is[j % 4]
        pltpu.make_async_copy(seg_hbm.at[pl.ds(0, GROUP)], idx_b, sem_i).wait()

        @pl.when(i >= ng)
        def _():
            pad = jnp.full((LANES,), NUM_SEG, jnp.int32)
            for jj in range(GROUP // LANES):
                idx_b[pl.ds(jj * LANES, LANES)] = pad

        pltpu.make_async_copy(x_hbm.at[pl.ds(0, GROUP)], dbuf_b, sem_d).wait()
        pltpu.sync_copy(dbuf_b, acc_sp.at[idx_b], add=True)

        @pl.when(i + 2 < TRIPS)
        def _():
            start(i + 2, dbuf_b, sem_d, idxs[(j + 2) % 4], sem_is[(j + 2) % 4])

        pltpu.sync_copy(ones_v, cnt_sp.at[idx_b], add=True)

    start(0, dbuf0, sem_d0, idx0, sem_i0)
    start(1, dbuf1, sem_d1, idx1, sem_i1)

    lo = s * SEG_PER_TILE
    pltpu.sync_copy(zsum_hbm.at[pl.ds(lo, SEG_PER_TILE)],
                    acc_sp.at[pl.ds(lo, SEG_PER_TILE)])
    pltpu.sync_copy(zcnt, cnt_sp.at[pl.ds(lo, SEG_PER_TILE)])
    plsc.subcore_barrier()

    def quad(it, _):
        base = 4 * it
        for j in range(4):
            step(base + j, j)
        return 0
    lax.fori_loop(0, TRIPS // 4, quad, 0)

    plsc.subcore_barrier()

    pltpu.sync_copy(acc_sp.at[pl.ds(lo, SEG_PER_TILE)],
                    sums_hbm.at[c].at[pl.ds(lo, SEG_PER_TILE)])
    pltpu.sync_copy(cnt_sp.at[pl.ds(lo, SEG_PER_TILE)],
                    cnts_hbm.at[c].at[pl.ds(lo, SEG_PER_TILE)])


_phase1 = functools.partial(
    pl.kernel,
    mesh=plsc.VectorSubcoreMesh(core_axis_name="c", subcore_axis_name="s"),
    out_type=[
        jax.ShapeDtypeStruct((NC, SEG_PAD, D), jnp.float32),
        jax.ShapeDtypeStruct((NC, SEG_PAD), jnp.float32),
    ],
    scratch_types=[
        pltpu.VMEM((GROUP, D), jnp.float32),
        pltpu.VMEM((GROUP, D), jnp.float32),
        pltpu.VMEM((GROUP,), jnp.int32),
        pltpu.VMEM((GROUP,), jnp.int32),
        pltpu.VMEM((GROUP,), jnp.int32),
        pltpu.VMEM((GROUP,), jnp.int32),
        pltpu.VMEM((GROUP,), jnp.float32),
        pltpu.VMEM((SEG_PER_TILE,), jnp.float32),
        pltpu.VMEM_SHARED((SEG_PAD, D), jnp.float32),
        pltpu.VMEM_SHARED((SEG_PAD,), jnp.float32),
        pltpu.SemaphoreType.DMA,
        pltpu.SemaphoreType.DMA,
        pltpu.SemaphoreType.DMA,
        pltpu.SemaphoreType.DMA,
        pltpu.SemaphoreType.DMA,
        pltpu.SemaphoreType.DMA,
    ],
)(_phase1_body)


def _phase2_body(sm, cc, o):
    c = cc[...]
    cnt = jnp.transpose(c[0:1, :] + c[1:2, :], (1, 0))
    o[...] = (sm[0] + sm[1]) / jnp.maximum(cnt, 1.0)


_BS = 512

_phase2 = pl.pallas_call(
    _phase2_body,
    grid=(SEG_PAD // _BS,),
    in_specs=[
        pl.BlockSpec((NC, _BS, D), lambda i: (0, i, 0)),
        pl.BlockSpec((NC, _BS), lambda i: (0, i)),
    ],
    out_specs=pl.BlockSpec((_BS, D), lambda i: (i, 0)),
    out_shape=jax.ShapeDtypeStruct((NUM_SEG, D), jnp.float32),
)


@jax.jit
def kernel(input, segLabels):
    seg = segLabels.astype(jnp.int32)
    zsum = jnp.zeros((SEG_PAD, D), jnp.float32)
    sums, cnts = _phase1(input, seg, zsum)
    return _phase2(sums, cnts)

# --- scband reference (transcript-rebuilt; emitter-appended) ---
"""Pipeline reference for scband-spixel-aggr-avr-dense-14499809591946 (READ-ONLY COPY).

The authoritative reference and input builder live on the scoring server;
editing this copy changes nothing except your own understanding.
"""

import jax, jax.numpy as jnp
import numpy as np

N = 320000
D = 128
NUM_SEG = 10000

def setup_inputs(seed: int = 0) -> dict:
    key = jax.random.key(seed)
    k1, k2 = jax.random.split(key)
    x = jax.random.normal(k1, (N, D), dtype=jnp.float32)
    seg = jnp.sort(jax.random.randint(k2, (N,), 0, NUM_SEG)).astype(jnp.int64)
    return {"input": x, "segLabels": seg}

def reference(input, segLabels):
    # Superpixel average aggregation: for each segment label s,
    # output[s] = mean of input rows whose segLabel == s (dense label space).
    sums = jax.ops.segment_sum(input, segLabels, num_segments=NUM_SEG)
    counts = jax.ops.segment_sum(jnp.ones((segLabels.shape[0],), dtype=input.dtype), segLabels, num_segments=NUM_SEG)
    counts = jnp.maximum(counts, 1.0)
    return sums / counts[:, None]

if __name__ == "__main__":
    import jax
    _d = setup_inputs()
    print(jax.jit(kernel)(*tuple(_d.values())))

</pallas_src>

<mosaic_0001>
#map = affine_map<(d0, d1) -> (0, 0)>
#map1 = affine_map<(d0, d1) -> (0)>
#map2 = affine_map<(d0, d1) -> (0, 0, 0)>
module attributes {stable_mosaic.version = 14 : i64} {
  func.func @_phase1_body(%arg0: i32, %arg1: i32, %arg2: memref<320000x128xf32, #tpu.memory_space<hbm>>, %arg3: memref<320000xi32, #tpu.memory_space<hbm>>, %arg4: memref<10240x128xf32, #tpu.memory_space<hbm>>, %arg5: memref<2x10240x128xf32, #tpu.memory_space<hbm>>, %arg6: memref<2x10240xf32, #tpu.memory_space<hbm>>, %arg7: memref<128x128xf32, #tpu.memory_space<vmem>>, %arg8: memref<128x128xf32, #tpu.memory_space<vmem>>, %arg9: memref<128xi32, #tpu.memory_space<vmem>>, %arg10: memref<128xi32, #tpu.memory_space<vmem>>, %arg11: memref<128xi32, #tpu.memory_space<vmem>>, %arg12: memref<128xi32, #tpu.memory_space<vmem>>, %arg13: memref<128xf32, #tpu.memory_space<vmem>>, %arg14: memref<640xf32, #tpu.memory_space<vmem>>, %arg15: memref<10240x128xf32, #tpu.memory_space<vmem_shared>>, %arg16: memref<10240xf32, #tpu.memory_space<vmem_shared>>, %arg17: memref<!tpu.dma_semaphore, #tpu.memory_space<semaphore_mem>>, %arg18: memref<!tpu.dma_semaphore, #tpu.memory_space<semaphore_mem>>, %arg19: memref<!tpu.dma_semaphore, #tpu.memory_space<semaphore_mem>>, %arg20: memref<!tpu.dma_semaphore, #tpu.memory_space<semaphore_mem>>, %arg21: memref<!tpu.dma_semaphore, #tpu.memory_space<semaphore_mem>>, %arg22: memref<!tpu.dma_semaphore, #tpu.memory_space<semaphore_mem>>) attributes {dimension_semantics = [#tpu.dimension_semantics<core_parallel>, #tpu.dimension_semantics<subcore_parallel>], iteration_bounds = array<i64: 2, 16>, scalar_prefetch = 0 : i64, scratch_operands = 16 : i64, tpu.core_type = #tpu.core_type<sc_vector_subcore>, window_params = [{transform_indices = #map}, {transform_indices = #map1}, {transform_indices = #map}, {transform_indices = #map2}, {transform_indices = #map}]} {
    %mul3A = arith.constant 2 : i32
    %mul3A_0 = arith.muli %arg1, %mul3A : i32
    %add3A = arith.addi %mul3A_0, %arg0 : i32
    %broadcast_in_dim3A = arith.constant 0.000000e+00 : f32
    %broadcast_in_dim3A_1 = vector.broadcast %broadcast_in_dim3A : f32 to vector<16xf32>
    %broadcast_in_dim3A_2 = arith.constant 1.000000e+00 : f32
    %broadcast_in_dim3A_3 = vector.broadcast %broadcast_in_dim3A_2 : f32 to vector<16xf32>
    %scan3A = arith.constant 0 : i32
    %scan3A_4 = arith.constant 0 : i32
    %scan3A_5 = arith.constant 40 : i32
    %scan3A_6 = arith.addi %scan3A_4, %scan3A_5 : i32
    %scan3A_7 = arith.constant 1 : i32
    %scan3A_8 = scf.for %scan3A_98 = %scan3A_4 to %scan3A_6 step %scan3A_7 iter_args(%scan3A_99 = %scan3A) -> (i32)  : i32 {
      %mul3A_100 = arith.constant 16 : i32
      %mul3A_101 = arith.muli %scan3A_98, %mul3A_100 : i32
      %swap3A = arith.index_cast %mul3A_101 : i32 to index
      %swap3A_102 = tpu.vector_load %arg14[%swap3A] {strides = array<i32>} : memref<640xf32, #tpu.memory_space<vmem>>, vector<16xf32>,
      %swap3A_103 = vector.shape_cast %swap3A_102 : vector<16xf32> to vector<16xf32>
      %swap3A_104 = vector.shape_cast %broadcast_in_dim3A_1 : vector<16xf32> to vector<16xf32>
      tpu.vector_store %arg14[%swap3A], %swap3A_104 {strides = array<i32>} : memref<640xf32, #tpu.memory_space<vmem>>, vector<16xf32>,
      %scan3A_105 = arith.constant 0 : i32
      scf.yield %scan3A_105 : i32
    }
    %scan3A_9 = arith.constant 40 : i32
    %scan3A_10 = arith.constant 0 : i32
    %scan3A_11 = arith.constant 0 : i32
    %scan3A_12 = arith.constant 8 : i32
    %scan3A_13 = arith.addi %scan3A_11, %scan3A_12 : i32
    %scan3A_14 = arith.constant 1 : i32
    %scan3A_15 = scf.for %scan3A_98 = %scan3A_11 to %scan3A_13 step %scan3A_14 iter_args(%scan3A_99 = %scan3A_10) -> (i32)  : i32 {
      %mul3A_100 = arith.constant 16 : i32
      %mul3A_101 = arith.muli %scan3A_98, %mul3A_100 : i32
      %swap3A = arith.index_cast %mul3A_101 : i32 to index
      %swap3A_102 = tpu.vector_load %arg13[%swap3A] {strides = array<i32>} : memref<128xf32, #tpu.memory_space<vmem>>, vector<16xf32>,
      %swap3A_103 = vector.shape_cast %swap3A_102 : vector<16xf32> to vector<16xf32>
      %swap3A_104 = vector.shape_cast %broadcast_in_dim3A_3 : vector<16xf32> to vector<16xf32>
      tpu.vector_store %arg13[%swap3A], %swap3A_104 {strides = array<i32>} : memref<128xf32, #tpu.memory_space<vmem>>, vector<16xf32>,
      %scan3A_105 = arith.constant 0 : i32
      scf.yield %scan3A_105 : i32
    }
    %scan3A_16 = arith.constant 8 : i32
    %mul3A_17 = arith.constant 2500 : i32
    %mul3A_18 = arith.muli %add3A, %mul3A_17 : i32
    %jit3A = arith.constant 32 : i32
    %div3A = arith.divsi %mul3A_18, %jit3A : i32
    %sign3A = arith.constant 0 : i32
    %sign3A_19 = arith.cmpi sgt, %mul3A_18, %sign3A : i32
    %sign3A_20 = arith.extui %sign3A_19 : i1 to i32
    %sign3A_21 = arith.constant 0 : i32
    %sign3A_22 = arith.cmpi slt, %mul3A_18, %sign3A_21 : i32
    %sign3A_23 = arith.extui %sign3A_22 : i1 to i32
    %sign3A_24 = arith.subi %sign3A_20, %sign3A_23 : i32
    %sign3A_25 = arith.constant 0 : i32
    %sign3A_26 = arith.cmpi sgt, %jit3A, %sign3A_25 : i32
    %sign3A_27 = arith.extui %sign3A_26 : i1 to i32
    %sign3A_28 = arith.constant 0 : i32
    %sign3A_29 = arith.cmpi slt, %jit3A, %sign3A_28 : i32
    %sign3A_30 = arith.extui %sign3A_29 : i1 to i32
    %sign3A_31 = arith.subi %sign3A_27, %sign3A_30 : i32
    %ne3A = arith.cmpi ne, %sign3A_24, %sign3A_31 : i32
    %rem3A = arith.remsi %mul3A_18, %jit3A : i32
    %ne3A_32 = arith.constant 0 : i32
    %ne3A_33 = arith.cmpi ne, %rem3A, %ne3A_32 : i32
    %and3A = arith.andi %ne3A, %ne3A_33 : i1
    %sub3A = arith.constant 1 : i32
    %sub3A_34 = arith.subi %div3A, %sub3A : i32
    %select_n3A = arith.select %and3A, %sub3A_34, %div3A : i32
    %add3A_35 = arith.constant 1 : i32
    %add3A_36 = arith.addi %add3A, %add3A_35 : i32
    %mul3A_37 = arith.constant 2500 : i32
    %mul3A_38 = arith.muli %add3A_36, %mul3A_37 : i32
    %jit3A_39 = arith.constant 32 : i32
    %div3A_40 = arith.divsi %mul3A_38, %jit3A_39 : i32
    %sign3A_41 = arith.constant 0 : i32
    %sign3A_42 = arith.cmpi sgt, %mul3A_38, %sign3A_41 : i32
    %sign3A_43 = arith.extui %sign3A_42 : i1 to i32
    %sign3A_44 = arith.constant 0 : i32
    %sign3A_45 = arith.cmpi slt, %mul3A_38, %sign3A_44 : i32
    %sign3A_46 = arith.extui %sign3A_45 : i1 to i32
    %sign3A_47 = arith.subi %sign3A_43, %sign3A_46 : i32
    %sign3A_48 = arith.constant 0 : i32
    %sign3A_49 = arith.cmpi sgt, %jit3A_39, %sign3A_48 : i32
    %sign3A_50 = arith.extui %sign3A_49 : i1 to i32
    %sign3A_51 = arith.constant 0 : i32
    %sign3A_52 = arith.cmpi slt, %jit3A_39, %sign3A_51 : i32
    %sign3A_53 = arith.extui %sign3A_52 : i1 to i32
    %sign3A_54 = arith.subi %sign3A_50, %sign3A_53 : i32
    %ne3A_55 = arith.cmpi ne, %sign3A_47, %sign3A_54 : i32
    %rem3A_56 = arith.remsi %mul3A_38, %jit3A_39 : i32
    %ne3A_57 = arith.constant 0 : i32
    %ne3A_58 = arith.cmpi ne, %rem3A_56, %ne3A_57 : i32
    %and3A_59 = arith.andi %ne3A_55, %ne3A_58 : i1
    %sub3A_60 = arith.constant 1 : i32
    %sub3A_61 = arith.subi %div3A_40, %sub3A_60 : i32
    %select_n3A_62 = arith.select %and3A_59, %sub3A_61, %div3A_40 : i32
    %sub3A_63 = arith.subi %select_n3A_62, %select_n3A : i32
    %gt3A = arith.constant 0 : i32
    %gt3A_64 = arith.cmpi sgt, %sub3A_63, %gt3A : i32
    %add3A_65 = arith.constant 0 : i32
    %add3A_66 = arith.addi %select_n3A, %add3A_65 : i32
    %select_n3A_67 = arith.select %gt3A_64, %add3A_66, %select_n3A : i32
    %mul3A_68 = arith.constant 128 : i32
    %mul3A_69 = arith.muli %select_n3A_67, %mul3A_68 : i32
    %dma_start3A = arith.constant 0 : i32
    %dma_start3A_70 = tpu.memref_slice %arg2[%mul3A_69, %dma_start3A] : memref<320000x128xf32, #tpu.memory_space<hbm>> -> memref<128x128xf32, #tpu.memory_space<hbm>>
    %dma_start3A_71 = arith.constant 0 : i32
    %dma_start3A_72 = tpu.memref_slice %arg2[%mul3A_69, %dma_start3A_71] : memref<320000x128xf32, #tpu.memory_space<hbm>> -> memref<128x128xf32, #tpu.memory_space<hbm>>
    tpu.enqueue_dma source(%dma_start3A_72 : memref<128x128xf32, #tpu.memory_space<hbm>>) target(%arg7 : memref<128x128xf32, #tpu.memory_space<vmem>>) target_semaphore(%arg17 : memref<!tpu.dma_semaphore, #tpu.memory_space<semaphore_mem>>)
    %dma_start3A_73 = tpu.memref_slice %arg3[%mul3A_69] : memref<320000xi32, #tpu.memory_space<hbm>> -> memref<128xi32, #tpu.memory_space<hbm>>
    %dma_start3A_74 = tpu.memref_slice %arg3[%mul3A_69] : memref<320000xi32, #tpu.memory_space<hbm>> -> memref<128xi32, #tpu.memory_space<hbm>>
    tpu.enqueue_dma source(%dma_start3A_74 : memref<128xi32, #tpu.memory_space<hbm>>) target(%arg9 : memref<128xi32, #tpu.memory_space<vmem>>) target_semaphore(%arg19 : memref<!tpu.dma_semaphore, #tpu.memory_space<semaphore_mem>>)
    %gt3A_75 = arith.constant 1 : i32
    %gt3A_76 = arith.cmpi sgt, %sub3A_63, %gt3A_75 : i32
    %add3A_77 = arith.constant 1 : i32
    %add3A_78 = arith.addi %select_n3A, %add3A_77 : i32
    %select_n3A_79 = arith.select %gt3A_76, %add3A_78, %select_n3A : i32
    %mul3A_80 = arith.constant 128 : i32
    %mul3A_81 = arith.muli %select_n3A_79, %mul3A_80 : i32
    %dma_start3A_82 = arith.constant 0 : i32
    %dma_start3A_83 = tpu.memref_slice %arg2[%mul3A_81, %dma_start3A_82] : memref<320000x128xf32, #tpu.memory_space<hbm>> -> memref<128x128xf32, #tpu.memory_space<hbm>>
    %dma_start3A_84 = arith.constant 0 : i32
    %dma_start3A_85 = tpu.memref_slice %arg2[%mul3A_81, %dma_start3A_84] : memref<320000x128xf32, #tpu.memory_space<hbm>> -> memref<128x128xf32, #tpu.memory_space<hbm>>
    tpu.enqueue_dma source(%dma_start3A_85 : memref<128x128xf32, #tpu.memory_space<hbm>>) target(%arg8 : memref<128x128xf32, #tpu.memory_space<vmem>>) target_semaphore(%arg18 : memref<!tpu.dma_semaphore, #tpu.memory_space<semaphore_mem>>)
    %dma_start3A_86 = tpu.memref_slice %arg3[%mul3A_81] : memref<320000xi32, #tpu.memory_space<hbm>> -> memref<128xi32, #tpu.memory_space<hbm>>
    %dma_start3A_87 = tpu.memref_slice %arg3[%mul3A_81] : memref<320000xi32, #tpu.memory_space<hbm>> -> memref<128xi32, #tpu.memory_space<hbm>>
    tpu.enqueue_dma source(%dma_start3A_87 : memref<128xi32, #tpu.memory_space<hbm>>) target(%arg10 : memref<128xi32, #tpu.memory_space<vmem>>) target_semaphore(%arg20 : memref<!tpu.dma_semaphore, #tpu.memory_space<semaphore_mem>>)
    %mul3A_88 = arith.constant 640 : i32
    %mul3A_89 = arith.muli %arg1, %mul3A_88 : i32
    "tpu.region"() ({
      %run_scoped3A = tpu.sem_alloc : memref<!tpu.dma_semaphore, #tpu.memory_space<semaphore_mem>>
      %dma_start3A_98 = arith.constant 0 : i32
      %dma_start3A_99 = tpu.memref_slice %arg15[%mul3A_89, %dma_start3A_98] : memref<10240x128xf32, #tpu.memory_space<vmem_shared>> -> memref<640x128xf32, #tpu.memory_space<vmem_shared>>
      %dma_start3A_100 = arith.constant 0 : i32
      %dma_start3A_101 = tpu.memref_slice %arg4[%mul3A_89, %dma_start3A_100] : memref<10240x128xf32, #tpu.memory_space<hbm>> -> memref<640x128xf32, #tpu.memory_space<hbm>>
      tpu.enqueue_dma source(%dma_start3A_101 : memref<640x128xf32, #tpu.memory_space<hbm>>) target(%dma_start3A_99 : memref<640x128xf32, #tpu.memory_space<vmem_shared>>) target_semaphore(%run_scoped3A : memref<!tpu.dma_semaphore, #tpu.memory_space<semaphore_mem>>)
      %dma_wait3A = arith.constant 0 : i32
      %dma_wait3A_102 = tpu.memref_slice %arg15[%mul3A_89, %dma_wait3A] : memref<10240x128xf32, #tpu.memory_space<vmem_shared>> -> memref<640x128xf32, #tpu.memory_space<vmem_shared>>
      %dma_wait3A_103 = arith.constant 0 : i32
      %dma_wait3A_104 = tpu.memref_slice %arg4[%mul3A_89, %dma_wait3A_103] : memref<10240x128xf32, #tpu.memory_space<hbm>> -> memref<640x128xf32, #tpu.memory_space<hbm>>
      tpu.wait_dma2 semaphore(%run_scoped3A : memref<!tpu.dma_semaphore, #tpu.memory_space<semaphore_mem>>) src(%dma_wait3A_104 : memref<640x128xf32, #tpu.memory_space<hbm>>) dst(%dma_wait3A_102 : memref<640x128xf32, #tpu.memory_space<vmem_shared>>)
      tpu.yield
    }) : () -> ()
    "tpu.region"() ({
      %run_scoped3A = tpu.sem_alloc : memref<!tpu.dma_semaphore, #tpu.memory_space<semaphore_mem>>
      %dma_start3A_98 = tpu.memref_slice %arg16[%mul3A_89] : memref<10240xf32, #tpu.memory_space<vmem_shared>> -> memref<640xf32, #tpu.memory_space<vmem_shared>>
      %dma_start3A_99 = tpu.memref_slice %arg16[%mul3A_89] : memref<10240xf32, #tpu.memory_space<vmem_shared>> -> memref<640xf32, #tpu.memory_space<vmem_shared>>
      tpu.enqueue_dma source(%arg14 : memref<640xf32, #tpu.memory_space<vmem>>) target(%dma_start3A_99 : memref<640xf32, #tpu.memory_space<vmem_shared>>) target_semaphore(%run_scoped3A : memref<!tpu.dma_semaphore, #tpu.memory_space<semaphore_mem>>)
      %dma_wait3A = tpu.memref_slice %arg16[%mul3A_89] : memref<10240xf32, #tpu.memory_space<vmem_shared>> -> memref<640xf32, #tpu.memory_space<vmem_shared>>
      %dma_wait3A_100 = tpu.memref_slice %arg16[%mul3A_89] : memref<10240xf32, #tpu.memory_space<vmem_shared>> -> memref<640xf32, #tpu.memory_space<vmem_shared>>
      tpu.wait_dma2 semaphore(%run_scoped3A : memref<!tpu.dma_semaphore, #tpu.memory_space<semaphore_mem>>) src(%arg14 : memref<640xf32, #tpu.memory_space<vmem>>) dst(%dma_wait3A_100 : memref<640xf32, #tpu.memory_space<vmem_shared>>)
      tpu.yield
    }) : () -> ()
    %barrier3A = arith.constant 0 : index
    tpu.barrier barrier_id(%barrier3A)
    %scan3A_90 = arith.constant 0 : i32
    %scan3A_91 = arith.constant 0 : i32
    %scan3A_92 = arith.constant 20 : i32
    %scan3A_93 = arith.addi %scan3A_91, %scan3A_92 : i32
    %scan3A_94 = arith.constant 1 : i32
    %scan3A_95 = scf.for %scan3A_98 = %scan3A_91 to %scan3A_93 step %scan3A_94 iter_args(%scan3A_99 = %scan3A_90) -> (i32)  : i32 {
      %mul3A_100 = arith.constant 4 : i32
      %mul3A_101 = arith.muli %mul3A_100, %scan3A_98 : i32
      %add3A_102 = arith.constant 0 : i32
      %add3A_103 = arith.addi %mul3A_101, %add3A_102 : i32
      %dma_wait3A = arith.constant 0 : i32
      %dma_wait3A_104 = tpu.memref_slice %arg3[%dma_wait3A] : memref<320000xi32, #tpu.memory_space<hbm>> -> memref<128xi32, #tpu.memory_space<hbm>>
      %dma_wait3A_105 = arith.constant 0 : i32
      %dma_wait3A_106 = tpu.memref_slice %arg3[%dma_wait3A_105] : memref<320000xi32, #tpu.memory_space<hbm>> -> memref<128xi32, #tpu.memory_space<hbm>>
      tpu.wait_dma2 semaphore(%arg19 : memref<!tpu.dma_semaphore, #tpu.memory_space<semaphore_mem>>) src(%dma_wait3A_106 : memref<128xi32, #tpu.memory_space<hbm>>) dst(%arg9 : memref<128xi32, #tpu.memory_space<vmem>>)
      %ge3A = arith.cmpi sge, %add3A_103, %sub3A_63 : i32
      %convert_element_type3A = arith.extui %ge3A : i1 to i32
      %cond3A = arith.constant 0 : i32
      %cond3A_107 = arith.cmpi ne, %convert_element_type3A, %cond3A : i32
      scf.if %cond3A_107 {
        %broadcast_in_dim3A_190 = arith.constant 10000 : i32
        %broadcast_in_dim3A_191 = vector.broadcast %broadcast_in_dim3A_190 : i32 to vector<16xi32>
        %swap3A = arith.constant 0 : index
        %swap3A_192 = tpu.vector_load %arg9[%swap3A] {strides = array<i32>} : memref<128xi32, #tpu.memory_space<vmem>>, vector<16xi32>,
        %swap3A_193 = vector.shape_cast %swap3A_192 : vector<16xi32> to vector<16xi32>
        %swap3A_194 = vector.shape_cast %broadcast_in_dim3A_191 : vector<16xi32> to vector<16xi32>
        tpu.vector_store %arg9[%swap3A], %swap3A_194 {strides = array<i32>} : memref<128xi32, #tpu.memory_space<vmem>>, vector<16xi32>,
        %swap3A_195 = arith.constant 16 : index
        %swap3A_196 = tpu.vector_load %arg9[%swap3A_195] {strides = array<i32>} : memref<128xi32, #tpu.memory_space<vmem>>, vector<16xi32>,
        %swap3A_197 = vector.shape_cast %swap3A_196 : vector<16xi32> to vector<16xi32>
        %swap3A_198 = vector.shape_cast %broadcast_in_dim3A_191 : vector<16xi32> to vector<16xi32>
        tpu.vector_store %arg9[%swap3A_195], %swap3A_198 {strides = array<i32>} : memref<128xi32, #tpu.memory_space<vmem>>, vector<16xi32>,
        %swap3A_199 = arith.constant 32 : index
        %swap3A_200 = tpu.vector_load %arg9[%swap3A_199] {strides = array<i32>} : memref<128xi32, #tpu.memory_space<vmem>>, vector<16xi32>,
        %swap3A_201 = vector.shape_cast %swap3A_200 : vector<16xi32> to vector<16xi32>
        %swap3A_202 = vector.shape_cast %broadcast_in_dim3A_191 : vector<16xi32> to vector<16xi32>
        tpu.vector_store %arg9[%swap3A_199], %swap3A_202 {strides = array<i32>} : memref<128xi32, #tpu.memory_space<vmem>>, vector<16xi32>,
        %swap3A_203 = arith.constant 48 : index
        %swap3A_204 = tpu.vector_load %arg9[%swap3A_203] {strides = array<i32>} : memref<128xi32, #tpu.memory_space<vmem>>, vector<16xi32>,
        %swap3A_205 = vector.shape_cast %swap3A_204 : vector<16xi32> to vector<16xi32>
        %swap3A_206 = vector.shape_cast %broadcast_in_dim3A_191 : vector<16xi32> to vector<16xi32>
        tpu.vector_store %arg9[%swap3A_203], %swap3A_206 {strides = array<i32>} : memref<128xi32, #tpu.memory_space<vmem>>, vector<16xi32>,
        %swap3A_207 = arith.constant 64 : index
        %swap3A_208 = tpu.vector_load %arg9[%swap3A_207] {strides = array<i32>} : memref<128xi32, #tpu.memory_space<vmem>>, vector<16xi32>,
        %swap3A_209 = vector.shape_cast %swap3A_208 : vector<16xi32> to vector<16xi32>
        %swap3A_210 = vector.shape_cast %broadcast_in_dim3A_191 : vector<16xi32> to vector<16xi32>
        tpu.vector_store %arg9[%swap3A_207], %swap3A_210 {strides = array<i32>} : memref<128xi32, #tpu.memory_space<vmem>>, vector<16xi32>,
        %swap3A_211 = arith.constant 80 : index
        %swap3A_212 = tpu.vector_load %arg9[%swap3A_211] {strides = array<i32>} : memref<128xi32, #tpu.memory_space<vmem>>, vector<16xi32>,
        %swap3A_213 = vector.shape_cast %swap3A_212 : vector<16xi32> to vector<16xi32>
        %swap3A_214 = vector.shape_cast %broadcast_in_dim3A_191 : vector<16xi32> to vector<16xi32>
        tpu.vector_store %arg9[%swap3A_211], %swap3A_214 {strides = array<i32>} : memref<128xi32, #tpu.memory_space<vmem>>, vector<16xi32>,
        %swap3A_215 = arith.constant 96 : index
        %swap3A_216 = tpu.vector_load %arg9[%swap3A_215] {strides = array<i32>} : memref<128xi32, #tpu.memory_space<vmem>>, vector<16xi32>,
        %swap3A_217 = vector.shape_cast %swap3A_216 : vector<16xi32> to vector<16xi32>
        %swap3A_218 = vector.shape_cast %broadcast_in_dim3A_191 : vector<16xi32> to vector<16xi32>
        tpu.vector_store %arg9[%swap3A_215], %swap3A_218 {strides = array<i32>} : memref<128xi32, #tpu.memory_space<vmem>>, vector<16xi32>,
        %swap3A_219 = arith.constant 112 : index
        %swap3A_220 = tpu.vector_load %arg9[%swap3A_219] {strides = array<i32>} : memref<128xi32, #tpu.memory_space<vmem>>, vector<16xi32>,
        %swap3A_221 = vector.shape_cast %swap3A_220 : vector<16xi32> to vector<16xi32>
        %swap3A_222 = vector.shape_cast %broadcast_in_dim3A_191 : vector<16xi32> to vector<16xi32>
        tpu.vector_store %arg9[%swap3A_219], %swap3A_222 {strides = array<i32>} : memref<128xi32, #tpu.memory_space<vmem>>, vector<16xi32>,
      } else {
      }
      %dma_wait3A_108 = arith.constant 0 : i32
      %dma_wait3A_109 = arith.constant 0 : i32
      %dma_wait3A_110 = tpu.memref_slice %arg2[%dma_wait3A_108, %dma_wait3A_109] : memref<320000x128xf32, #tpu.memory_space<hbm>> -> memref<128x128xf32, #tpu.memory_space<hbm>>
      %dma_wait3A_111 = arith.constant 0 : i32
      %dma_wait3A_112 = arith.constant 0 : i32
      %dma_wait3A_113 = tpu.memref_slice %arg2[%dma_wait3A_111, %dma_wait3A_112] : memref<320000x128xf32, #tpu.memory_space<hbm>> -> memref<128x128xf32, #tpu.memory_space<hbm>>
      tpu.wait_dma2 semaphore(%arg17 : memref<!tpu.dma_semaphore, #tpu.memory_space<semaphore_mem>>) src(%dma_wait3A_113 : memref<128x128xf32, #tpu.memory_space<hbm>>) dst(%arg7 : memref<128x128xf32, #tpu.memory_space<vmem>>)
      "tpu.region"() ({
        %run_scoped3A = tpu.sem_alloc : memref<!tpu.dma_semaphore, #tpu.memory_space<semaphore_mem>>
        %dma_start3A_190 = arith.constant 0 : i32
        %dma_start3A_191 = arith.constant 0 : i32
        %dma_start3A_192 = tpu.memref_slice %arg15[%dma_start3A_190, %dma_start3A_191] : memref<10240x128xf32, #tpu.memory_space<vmem_shared>> -> memref<10240x128xf32, #tpu.memory_space<vmem_shared>>
        tpu.enqueue_indirect_dma source(%arg7 : memref<128x128xf32, #tpu.memory_space<vmem>>) target(%dma_start3A_192 : memref<10240x128xf32, #tpu.memory_space<vmem_shared>>) offsets(%arg9 : memref<128xi32, #tpu.memory_space<vmem>>) semaphore(%run_scoped3A : memref<!tpu.dma_semaphore, #tpu.memory_space<semaphore_mem>>) {add = true}
        %dma_wait3A_193 = arith.constant 0 : i32
        %dma_wait3A_194 = arith.constant 0 : i32
        %dma_wait3A_195 = tpu.memref_slice %arg15[%dma_wait3A_193, %dma_wait3A_194] : memref<10240x128xf32, #tpu.memory_space<vmem_shared>> -> memref<10240x128xf32, #tpu.memory_space<vmem_shared>>
        tpu.wait_indirect_dma semaphore(%run_scoped3A : memref<!tpu.dma_semaphore, #tpu.memory_space<semaphore_mem>>) src(%arg7 : memref<128x128xf32, #tpu.memory_space<vmem>>) dst(%dma_wait3A_195 : memref<10240x128xf32, #tpu.memory_space<vmem_shared>>)
        tpu.yield
      }) : () -> ()
      %add3A_114 = arith.constant 2 : i32
      %add3A_115 = arith.addi %add3A_103, %add3A_114 : i32
      %lt3A = arith.constant 80 : i32
      %lt3A_116 = arith.cmpi slt, %add3A_115, %lt3A : i32
      %convert_element_type3A_117 = arith.extui %lt3A_116 : i1 to i32
      %cond3A_118 = arith.constant 0 : i32
      %cond3A_119 = arith.cmpi ne, %convert_element_type3A_117, %cond3A_118 : i32
      scf.if %cond3A_119 {
        %add3A_190 = arith.constant 2 : i32
        %add3A_191 = arith.addi %add3A_103, %add3A_190 : i32
        %lt3A_192 = arith.cmpi slt, %add3A_191, %sub3A_63 : i32
        %add3A_193 = arith.addi %select_n3A, %add3A_191 : i32
        %select_n3A_194 = arith.select %lt3A_192, %add3A_193, %select_n3A : i32
        %mul3A_195 = arith.constant 128 : i32
        %mul3A_196 = arith.muli %select_n3A_194, %mul3A_195 : i32
        %dma_start3A_197 = arith.constant 0 : i32
        %dma_start3A_198 = tpu.memref_slice %arg2[%mul3A_196, %dma_start3A_197] : memref<320000x128xf32, #tpu.memory_space<hbm>> -> memref<128x128xf32, #tpu.memory_space<hbm>>
        %dma_start3A_199 = arith.constant 0 : i32
        %dma_start3A_200 = tpu.memref_slice %arg2[%mul3A_196, %dma_start3A_199] : memref<320000x128xf32, #tpu.memory_space<hbm>> -> memref<128x128xf32, #tpu.memory_space<hbm>>
        tpu.enqueue_dma source(%dma_start3A_200 : memref<128x128xf32, #tpu.memory_space<hbm>>) target(%arg7 : memref<128x128xf32, #tpu.memory_space<vmem>>) target_semaphore(%arg17 : memref<!tpu.dma_semaphore, #tpu.memory_space<semaphore_mem>>)
        %dma_start3A_201 = tpu.memref_slice %arg3[%mul3A_196] : memref<320000xi32, #tpu.memory_space<hbm>> -> memref<128xi32, #tpu.memory_space<hbm>>
        %dma_start3A_202 = tpu.memref_slice %arg3[%mul3A_196] : memref<320000xi32, #tpu.memory_space<hbm>> -> memref<128xi32, #tpu.memory_space<hbm>>
        tpu.enqueue_dma source(%dma_start3A_202 : memref<128xi32, #tpu.memory_space<hbm>>) target(%arg11 : memref<128xi32, #tpu.memory_space<vmem>>) target_semaphore(%arg21 : memref<!tpu.dma_semaphore, #tpu.memory_space<semaphore_mem>>)
      } else {
      }
      "tpu.region"() ({
        %run_scoped3A = tpu.sem_alloc : memref<!tpu.dma_semaphore, #tpu.memory_space<semaphore_mem>>
        %dma_start3A_190 = arith.constant 0 : i32
        %dma_start3A_191 = tpu.memref_slice %arg16[%dma_start3A_190] : memref<10240xf32, #tpu.memory_space<vmem_shared>> -> memref<10240xf32, #tpu.memory_space<vmem_shared>>
        tpu.enqueue_indirect_dma source(%arg13 : memref<128xf32, #tpu.memory_space<vmem>>) target(%dma_start3A_191 : memref<10240xf32, #tpu.memory_space<vmem_shared>>) offsets(%arg9 : memref<128xi32, #tpu.memory_space<vmem>>) semaphore(%run_scoped3A : memref<!tpu.dma_semaphore, #tpu.memory_space<semaphore_mem>>) {add = true}
        %dma_wait3A_192 = arith.constant 0 : i32
        %dma_wait3A_193 = tpu.memref_slice %arg16[%dma_wait3A_192] : memref<10240xf32, #tpu.memory_space<vmem_shared>> -> memref<10240xf32, #tpu.memory_space<vmem_shared>>
        tpu.wait_indirect_dma semaphore(%run_scoped3A : memref<!tpu.dma_semaphore, #tpu.memory_space<semaphore_mem>>) src(%arg13 : memref<128xf32, #tpu.memory_space<vmem>>) dst(%dma_wait3A_193 : memref<10240xf32, #tpu.memory_space<vmem_shared>>)
        tpu.yield
      }) : () -> ()
      %add3A_120 = arith.constant 1 : i32
      %add3A_121 = arith.addi %mul3A_101, %add3A_120 : i32
      %dma_wait3A_122 = arith.constant 0 : i32
      %dma_wait3A_123 = tpu.memref_slice %arg3[%dma_wait3A_122] : memref<320000xi32, #tpu.memory_space<hbm>> -> memref<128xi32, #tpu.memory_space<hbm>>
      %dma_wait3A_124 = arith.constant 0 : i32
      %dma_wait3A_125 = tpu.memref_slice %arg3[%dma_wait3A_124] : memref<320000xi32, #tpu.memory_space<hbm>> -> memref<128xi32, #tpu.memory_space<hbm>>
      tpu.wait_dma2 semaphore(%arg20 : memref<!tpu.dma_semaphore, #tpu.memory_space<semaphore_mem>>) src(%dma_wait3A_125 : memref<128xi32, #tpu.memory_space<hbm>>) dst(%arg10 : memref<128xi32, #tpu.memory_space<vmem>>)
      %ge3A_126 = arith.cmpi sge, %add3A_121, %sub3A_63 : i32
      %convert_element_type3A_127 = arith.extui %ge3A_126 : i1 to i32
      %cond3A_128 = arith.constant 0 : i32
      %cond3A_129 = arith.cmpi ne, %convert_element_type3A_127, %cond3A_128 : i32
      scf.if %cond3A_129 {
        %broadcast_in_dim3A_190 = arith.constant 10000 : i32
        %broadcast_in_dim3A_191 = vector.broadcast %broadcast_in_dim3A_190 : i32 to vector<16xi32>
        %swap3A = arith.constant 0 : index
        %swap3A_192 = tpu.vector_load %arg10[%swap3A] {strides = array<i32>} : memref<128xi32, #tpu.memory_space<vmem>>, vector<16xi32>,
        %swap3A_193 = vector.shape_cast %swap3A_192 : vector<16xi32> to vector<16xi32>
        %swap3A_194 = vector.shape_cast %broadcast_in_dim3A_191 : vector<16xi32> to vector<16xi32>
        tpu.vector_store %arg10[%swap3A], %swap3A_194 {strides = array<i32>} : memref<128xi32, #tpu.memory_space<vmem>>, vector<16xi32>,
        %swap3A_195 = arith.constant 16 : index
        %swap3A_196 = tpu.vector_load %arg10[%swap3A_195] {strides = array<i32>} : memref<128xi32, #tpu.memory_space<vmem>>, vector<16xi32>,
        %swap3A_197 = vector.shape_cast %swap3A_196 : vector<16xi32> to vector<16xi32>
        %swap3A_198 = vector.shape_cast %broadcast_in_dim3A_191 : vector<16xi32> to vector<16xi32>
        tpu.vector_store %arg10[%swap3A_195], %swap3A_198 {strides = array<i32>} : memref<128xi32, #tpu.memory_space<vmem>>, vector<16xi32>,
        %swap3A_199 = arith.constant 32 : index
        %swap3A_200 = tpu.vector_load %arg10[%swap3A_199] {strides = array<i32>} : memref<128xi32, #tpu.memory_space<vmem>>, vector<16xi32>,
        %swap3A_201 = vector.shape_cast %swap3A_200 : vector<16xi32> to vector<16xi32>
        %swap3A_202 = vector.shape_cast %broadcast_in_dim3A_191 : vector<16xi32> to vector<16xi32>
        tpu.vector_store %arg10[%swap3A_199], %swap3A_202 {strides = array<i32>} : memref<128xi32, #tpu.memory_space<vmem>>, vector<16xi32>,
        %swap3A_203 = arith.constant 48 : index
        %swap3A_204 = tpu.vector_load %arg10[%swap3A_203] {strides = array<i32>} : memref<128xi32, #tpu.memory_space<vmem>>, vector<16xi32>,
        %swap3A_205 = vector.shape_cast %swap3A_204 : vector<16xi32> to vector<16xi32>
        %swap3A_206 = vector.shape_cast %broadcast_in_dim3A_191 : vector<16xi32> to vector<16xi32>
        tpu.vector_store %arg10[%swap3A_203], %swap3A_206 {strides = array<i32>} : memref<128xi32, #tpu.memory_space<vmem>>, vector<16xi32>,
        %swap3A_207 = arith.constant 64 : index
        %swap3A_208 = tpu.vector_load %arg10[%swap3A_207] {strides = array<i32>} : memref<128xi32, #tpu.memory_space<vmem>>, vector<16xi32>,
        %swap3A_209 = vector.shape_cast %swap3A_208 : vector<16xi32> to vector<16xi32>
        %swap3A_210 = vector.shape_cast %broadcast_in_dim3A_191 : vector<16xi32> to vector<16xi32>
        tpu.vector_store %arg10[%swap3A_207], %swap3A_210 {strides = array<i32>} : memref<128xi32, #tpu.memory_space<vmem>>, vector<16xi32>,
        %swap3A_211 = arith.constant 80 : index
        %swap3A_212 = tpu.vector_load %arg10[%swap3A_211] {strides = array<i32>} : memref<128xi32, #tpu.memory_space<vmem>>, vector<16xi32>,
        %swap3A_213 = vector.shape_cast %swap3A_212 : vector<16xi32> to vector<16xi32>
        %swap3A_214 = vector.shape_cast %broadcast_in_dim3A_191 : vector<16xi32> to vector<16xi32>
        tpu.vector_store %arg10[%swap3A_211], %swap3A_214 {strides = array<i32>} : memref<128xi32, #tpu.memory_space<vmem>>, vector<16xi32>,
        %swap3A_215 = arith.constant 96 : index
        %swap3A_216 = tpu.vector_load %arg10[%swap3A_215] {strides = array<i32>} : memref<128xi32, #tpu.memory_space<vmem>>, vector<16xi32>,
        %swap3A_217 = vector.shape_cast %swap3A_216 : vector<16xi32> to vector<16xi32>
        %swap3A_218 = vector.shape_cast %broadcast_in_dim3A_191 : vector<16xi32> to vector<16xi32>
        tpu.vector_store %arg10[%swap3A_215], %swap3A_218 {strides = array<i32>} : memref<128xi32, #tpu.memory_space<vmem>>, vector<16xi32>,
        %swap3A_219 = arith.constant 112 : index
        %swap3A_220 = tpu.vector_load %arg10[%swap3A_219] {strides = array<i32>} : memref<128xi32, #tpu.memory_space<vmem>>, vector<16xi32>,
        %swap3A_221 = vector.shape_cast %swap3A_220 : vector<16xi32> to vector<16xi32>
        %swap3A_222 = vector.shape_cast %broadcast_in_dim3A_191 : vector<16xi32> to vector<16xi32>
        tpu.vector_store %arg10[%swap3A_219], %swap3A_222 {strides = array<i32>} : memref<128xi32, #tpu.memory_space<vmem>>, vector<16xi32>,
      } else {
      }
      %dma_wait3A_130 = arith.constant 0 : i32
      %dma_wait3A_131 = arith.constant 0 : i32
      %dma_wait3A_132 = tpu.memref_slice %arg2[%dma_wait3A_130, %dma_wait3A_131] : memref<320000x128xf32, #tpu.memory_space<hbm>> -> memref<128x128xf32, #tpu.memory_space<hbm>>
      %dma_wait3A_133 = arith.constant 0 : i32
      %dma_wait3A_134 = arith.constant 0 : i32
      %dma_wait3A_135 = tpu.memref_slice %arg2[%dma_wait3A_133, %dma_wait3A_134] : memref<320000x128xf32, #tpu.memory_space<hbm>> -> memref<128x128xf32, #tpu.memory_space<hbm>>
      tpu.wait_dma2 semaphore(%arg18 : memref<!tpu.dma_semaphore, #tpu.memory_space<semaphore_mem>>) src(%dma_wait3A_135 : memref<128x128xf32, #tpu.memory_space<hbm>>) dst(%arg8 : memref<128x128xf32, #tpu.memory_space<vmem>>)
      "tpu.region"() ({
        %run_scoped3A = tpu.sem_alloc : memref<!tpu.dma_semaphore, #tpu.memory_space<semaphore_mem>>
        %dma_start3A_190 = arith.constant 0 : i32
        %dma_start3A_191 = arith.constant 0 : i32
        %dma_start3A_192 = tpu.memref_slice %arg15[%dma_start3A_190, %dma_start3A_191] : memref<10240x128xf32, #tpu.memory_space<vmem_shared>> -> memref<10240x128xf32, #tpu.memory_space<vmem_shared>>
        tpu.enqueue_indirect_dma source(%arg8 : memref<128x128xf32, #tpu.memory_space<vmem>>) target(%dma_start3A_192 : memref<10240x128xf32, #tpu.memory_space<vmem_shared>>) offsets(%arg10 : memref<128xi32, #tpu.memory_space<vmem>>) semaphore(%run_scoped3A : memref<!tpu.dma_semaphore, #tpu.memory_space<semaphore_mem>>) {add = true}
        %dma_wait3A_193 = arith.constant 0 : i32
        %dma_wait3A_194 = arith.constant 0 : i32
        %dma_wait3A_195 = tpu.memref_slice %arg15[%dma_wait3A_193, %dma_wait3A_194] : memref<10240x128xf32, #tpu.memory_space<vmem_shared>> -> memref<10240x128xf32, #tpu.memory_space<vmem_shared>>
        tpu.wait_indirect_dma semaphore(%run_scoped3A : memref<!tpu.dma_semaphore, #tpu.memory_space<semaphore_mem>>) src(%arg8 : memref<128x128xf32, #tpu.memory_space<vmem>>) dst(%dma_wait3A_195 : memref<10240x128xf32, #tpu.memory_space<vmem_shared>>)
        tpu.yield
      }) : () -> ()
      %add3A_136 = arith.constant 2 : i32
      %add3A_137 = arith.addi %add3A_121, %add3A_136 : i32
      %lt3A_138 = arith.constant 80 : i32
      %lt3A_139 = arith.cmpi slt, %add3A_137, %lt3A_138 : i32
      %convert_element_type3A_140 = arith.extui %lt3A_139 : i1 to i32
      %cond3A_141 = arith.constant 0 : i32
      %cond3A_142 = arith.cmpi ne, %convert_element_type3A_140, %cond3A_141 : i32
      scf.if %cond3A_142 {
        %add3A_190 = arith.constant 2 : i32
        %add3A_191 = arith.addi %add3A_121, %add3A_190 : i32
        %lt3A_192 = arith.cmpi slt, %add3A_191, %sub3A_63 : i32
        %add3A_193 = arith.addi %select_n3A, %add3A_191 : i32
        %select_n3A_194 = arith.select %lt3A_192, %add3A_193, %select_n3A : i32
        %mul3A_195 = arith.constant 128 : i32
        %mul3A_196 = arith.muli %select_n3A_194, %mul3A_195 : i32
        %dma_start3A_197 = arith.constant 0 : i32
        %dma_start3A_198 = tpu.memref_slice %arg2[%mul3A_196, %dma_start3A_197] : memref<320000x128xf32, #tpu.memory_space<hbm>> -> memref<128x128xf32, #tpu.memory_space<hbm>>
        %dma_start3A_199 = arith.constant 0 : i32
        %dma_start3A_200 = tpu.memref_slice %arg2[%mul3A_196, %dma_start3A_199] : memref<320000x128xf32, #tpu.memory_space<hbm>> -> memref<128x128xf32, #tpu.memory_space<hbm>>
        tpu.enqueue_dma source(%dma_start3A_200 : memref<128x128xf32, #tpu.memory_space<hbm>>) target(%arg8 : memref<128x128xf32, #tpu.memory_space<vmem>>) target_semaphore(%arg18 : memref<!tpu.dma_semaphore, #tpu.memory_space<semaphore_mem>>)
        %dma_start3A_201 = tpu.memref_slice %arg3[%mul3A_196] : memref<320000xi32, #tpu.memory_space<hbm>> -> memref<128xi32, #tpu.memory_space<hbm>>
        %dma_start3A_202 = tpu.memref_slice %arg3[%mul3A_196] : memref<320000xi32, #tpu.memory_space<hbm>> -> memref<128xi32, #tpu.memory_space<hbm>>
        tpu.enqueue_dma source(%dma_start3A_202 : memref<128xi32, #tpu.memory_space<hbm>>) target(%arg12 : memref<128xi32, #tpu.memory_space<vmem>>) target_semaphore(%arg22 : memref<!tpu.dma_semaphore, #tpu.memory_space<semaphore_mem>>)
      } else {
      }
      "tpu.region"() ({
        %run_scoped3A = tpu.sem_alloc : memref<!tpu.dma_semaphore, #tpu.memory_space<semaphore_mem>>
        %dma_start3A_190 = arith.constant 0 : i32
        %dma_start3A_191 = tpu.memref_slice %arg16[%dma_start3A_190] : memref<10240xf32, #tpu.memory_space<vmem_shared>> -> memref<10240xf32, #tpu.memory_space<vmem_shared>>
        tpu.enqueue_indirect_dma source(%arg13 : memref<128xf32, #tpu.memory_space<vmem>>) target(%dma_start3A_191 : memref<10240xf32, #tpu.memory_space<vmem_shared>>) offsets(%arg10 : memref<128xi32, #tpu.memory_space<vmem>>) semaphore(%run_scoped3A : memref<!tpu.dma_semaphore, #tpu.memory_space<semaphore_mem>>) {add = true}
        %dma_wait3A_192 = arith.constant 0 : i32
        %dma_wait3A_193 = tpu.memref_slice %arg16[%dma_wait3A_192] : memref<10240xf32, #tpu.memory_space<vmem_shared>> -> memref<10240xf32, #tpu.memory_space<vmem_shared>>
        tpu.wait_indirect_dma semaphore(%run_scoped3A : memref<!tpu.dma_semaphore, #tpu.memory_space<semaphore_mem>>) src(%arg13 : memref<128xf32, #tpu.memory_space<vmem>>) dst(%dma_wait3A_193 : memref<10240xf32, #tpu.memory_space<vmem_shared>>)
        tpu.yield
      }) : () -> ()
      %add3A_143 = arith.constant 2 : i32
      %add3A_144 = arith.addi %mul3A_101, %add3A_143 : i32
      %dma_wait3A_145 = arith.constant 0 : i32
      %dma_wait3A_146 = tpu.memref_slice %arg3[%dma_wait3A_145] : memref<320000xi32, #tpu.memory_space<hbm>> -> memref<128xi32, #tpu.memory_space<hbm>>
      %dma_wait3A_147 = arith.constant 0 : i32
      %dma_wait3A_148 = tpu.memref_slice %arg3[%dma_wait3A_147] : memref<320000xi32, #tpu.memory_space<hbm>> -> memref<128xi32, #tpu.memory_space<hbm>>
      tpu.wait_dma2 semaphore(%arg21 : memref<!tpu.dma_semaphore, #tpu.memory_space<semaphore_mem>>) src(%dma_wait3A_148 : memref<128xi32, #tpu.memory_space<hbm>>) dst(%arg11 : memref<128xi32, #tpu.memory_space<vmem>>)
      %ge3A_149 = arith.cmpi sge, %add3A_144, %sub3A_63 : i32
      %convert_element_type3A_150 = arith.extui %ge3A_149 : i1 to i32
      %cond3A_151 = arith.constant 0 : i32
      %cond3A_152 = arith.cmpi ne, %convert_element_type3A_150, %cond3A_151 : i32
      scf.if %cond3A_152 {
        %broadcast_in_dim3A_190 = arith.constant 10000 : i32
        %broadcast_in_dim3A_191 = vector.broadcast %broadcast_in_dim3A_190 : i32 to vector<16xi32>
        %swap3A = arith.constant 0 : index
        %swap3A_192 = tpu.vector_load %arg11[%swap3A] {strides = array<i32>} : memref<128xi32, #tpu.memory_space<vmem>>, vector<16xi32>,
        %swap3A_193 = vector.shape_cast %swap3A_192 : vector<16xi32> to vector<16xi32>
        %swap3A_194 = vector.shape_cast %broadcast_in_dim3A_191 : vector<16xi32> to vector<16xi32>
        tpu.vector_store %arg11[%swap3A], %swap3A_194 {strides = array<i32>} : memref<128xi32, #tpu.memory_space<vmem>>, vector<16xi32>,
        %swap3A_195 = arith.constant 16 : index
        %swap3A_196 = tpu.vector_load %arg11[%swap3A_195] {strides = array<i32>} : memref<128xi32, #tpu.memory_space<vmem>>, vector<16xi32>,
        %swap3A_197 = vector.shape_cast %swap3A_196 : vector<16xi32> to vector<16xi32>
        %swap3A_198 = vector.shape_cast %broadcast_in_dim3A_191 : vector<16xi32> to vector<16xi32>
        tpu.vector_store %arg11[%swap3A_195], %swap3A_198 {strides = array<i32>} : memref<128xi32, #tpu.memory_space<vmem>>, vector<16xi32>,
        %swap3A_199 = arith.constant 32 : index
        %swap3A_200 = tpu.vector_load %arg11[%swap3A_199] {strides = array<i32>} : memref<128xi32, #tpu.memory_space<vmem>>, vector<16xi32>,
        %swap3A_201 = vector.shape_cast %swap3A_200 : vector<16xi32> to vector<16xi32>
        %swap3A_202 = vector.shape_cast %broadcast_in_dim3A_191 : vector<16xi32> to vector<16xi32>
        tpu.vector_store %arg11[%swap3A_199], %swap3A_202 {strides = array<i32>} : memref<128xi32, #tpu.memory_space<vmem>>, vector<16xi32>,
        %swap3A_203 = arith.constant 48 : index
        %swap3A_204 = tpu.vector_load %arg11[%swap3A_203] {strides = array<i32>} : memref<128xi32, #tpu.memory_space<vmem>>, vector<16xi32>,
        %swap3A_205 = vector.shape_cast %swap3A_204 : vector<16xi32> to vector<16xi32>
        %swap3A_206 = vector.shape_cast %broadcast_in_dim3A_191 : vector<16xi32> to vector<16xi32>
        tpu.vector_store %arg11[%swap3A_203], %swap3A_206 {strides = array<i32>} : memref<128xi32, #tpu.memory_space<vmem>>, vector<16xi32>,
        %swap3A_207 = arith.constant 64 : index
        %swap3A_208 = tpu.vector_load %arg11[%swap3A_207] {strides = array<i32>} : memref<128xi32, #tpu.memory_space<vmem>>, vector<16xi32>,
        %swap3A_209 = vector.shape_cast %swap3A_208 : vector<16xi32> to vector<16xi32>
        %swap3A_210 = vector.shape_cast %broadcast_in_dim3A_191 : vector<16xi32> to vector<16xi32>
        tpu.vector_store %arg11[%swap3A_207], %swap3A_210 {strides = array<i32>} : memref<128xi32, #tpu.memory_space<vmem>>, vector<16xi32>,
        %swap3A_211 = arith.constant 80 : index
        %swap3A_212 = tpu.vector_load %arg11[%swap3A_211] {strides = array<i32>} : memref<128xi32, #tpu.memory_space<vmem>>, vector<16xi32>,
        %swap3A_213 = vector.shape_cast %swap3A_212 : vector<16xi32> to vector<16xi32>
        %swap3A_214 = vector.shape_cast %broadcast_in_dim3A_191 : vector<16xi32> to vector<16xi32>
        tpu.vector_store %arg11[%swap3A_211], %swap3A_214 {strides = array<i32>} : memref<128xi32, #tpu.memory_space<vmem>>, vector<16xi32>,
        %swap3A_215 = arith.constant 96 : index
        %swap3A_216 = tpu.vector_load %arg11[%swap3A_215] {strides = array<i32>} : memref<128xi32, #tpu.memory_space<vmem>>, vector<16xi32>,
        %swap3A_217 = vector.shape_cast %swap3A_216 : vector<16xi32> to vector<16xi32>
        %swap3A_218 = vector.shape_cast %broadcast_in_dim3A_191 : vector<16xi32> to vector<16xi32>
        tpu.vector_store %arg11[%swap3A_215], %swap3A_218 {strides = array<i32>} : memref<128xi32, #tpu.memory_space<vmem>>, vector<16xi32>,
        %swap3A_219 = arith.constant 112 : index
        %swap3A_220 = tpu.vector_load %arg11[%swap3A_219] {strides = array<i32>} : memref<128xi32, #tpu.memory_space<vmem>>, vector<16xi32>,
        %swap3A_221 = vector.shape_cast %swap3A_220 : vector<16xi32> to vector<16xi32>
        %swap3A_222 = vector.shape_cast %broadcast_in_dim3A_191 : vector<16xi32> to vector<16xi32>
        tpu.vector_store %arg11[%swap3A_219], %swap3A_222 {strides = array<i32>} : memref<128xi32, #tpu.memory_space<vmem>>, vector<16xi32>,
      } else {
      }
      %dma_wait3A_153 = arith.constant 0 : i32
      %dma_wait3A_154 = arith.constant 0 : i32
      %dma_wait3A_155 = tpu.memref_slice %arg2[%dma_wait3A_153, %dma_wait3A_154] : memref<320000x128xf32, #tpu.memory_space<hbm>> -> memref<128x128xf32, #tpu.memory_space<hbm>>
      %dma_wait3A_156 = arith.constant 0 : i32
      %dma_wait3A_157 = arith.constant 0 : i32
      %dma_wait3A_158 = tpu.memref_slice %arg2[%dma_wait3A_156, %dma_wait3A_157] : memref<320000x128xf32, #tpu.memory_space<hbm>> -> memref<128x128xf32, #tpu.memory_space<hbm>>
      tpu.wait_dma2 semaphore(%arg17 : memref<!tpu.dma_semaphore, #tpu.memory_space<semaphore_mem>>) src(%dma_wait3A_158 : memref<128x128xf32, #tpu.memory_space<hbm>>) dst(%arg7 : memref<128x128xf32, #tpu.memory_space<vmem>>)
      "tpu.region"() ({
        %run_scoped3A = tpu.sem_alloc : memref<!tpu.dma_semaphore, #tpu.memory_space<semaphore_mem>>
        %dma_start3A_190 = arith.constant 0 : i32
        %dma_start3A_191 = arith.constant 0 : i32
        %dma_start3A_192 = tpu.memref_slice %arg15[%dma_start3A_190, %dma_start3A_191] : memref<10240x128xf32, #tpu.memory_space<vmem_shared>> -> memref<10240x128xf32, #tpu.memory_space<vmem_shared>>
        tpu.enqueue_indirect_dma source(%arg7 : memref<128x128xf32, #tpu.memory_space<vmem>>) target(%dma_start3A_192 : memref<10240x128xf32, #tpu.memory_space<vmem_shared>>) offsets(%arg11 : memref<128xi32, #tpu.memory_space<vmem>>) semaphore(%run_scoped3A : memref<!tpu.dma_semaphore, #tpu.memory_space<semaphore_mem>>) {add = true}
        %dma_wait3A_193 = arith.constant 0 : i32
        %dma_wait3A_194 = arith.constant 0 : i32
        %dma_wait3A_195 = tpu.memref_slice %arg15[%dma_wait3A_193, %dma_wait3A_194] : memref<10240x128xf32, #tpu.memory_space<vmem_shared>> -> memref<10240x128xf32, #tpu.memory_space<vmem_shared>>
        tpu.wait_indirect_dma semaphore(%run_scoped3A : memref<!tpu.dma_semaphore, #tpu.memory_space<semaphore_mem>>) src(%arg7 : memref<128x128xf32, #tpu.memory_space<vmem>>) dst(%dma_wait3A_195 : memref<10240x128xf32, #tpu.memory_space<vmem_shared>>)
        tpu.yield
      }) : () -> ()
      %add3A_159 = arith.constant 2 : i32
      %add3A_160 = arith.addi %add3A_144, %add3A_159 : i32
      %lt3A_161 = arith.constant 80 : i32
      %lt3A_162 = arith.cmpi slt, %add3A_160, %lt3A_161 : i32
      %convert_element_type3A_163 = arith.extui %lt3A_162 : i1 to i32
      %cond3A_164 = arith.constant 0 : i32
      %cond3A_165 = arith.cmpi ne, %convert_element_type3A_163, %cond3A_164 : i32
      scf.if %cond3A_165 {
        %add3A_190 = arith.constant 2 : i32
        %add3A_191 = arith.addi %add3A_144, %add3A_190 : i32
        %lt3A_192 = arith.cmpi slt, %add3A_191, %sub3A_63 : i32
        %add3A_193 = arith.addi %select_n3A, %add3A_191 : i32
        %select_n3A_194 = arith.select %lt3A_192, %add3A_193, %select_n3A : i32
        %mul3A_195 = arith.constant 128 : i32
        %mul3A_196 = arith.muli %select_n3A_194, %mul3A_195 : i32
        %dma_start3A_197 = arith.constant 0 : i32
        %dma_start3A_198 = tpu.memref_slice %arg2[%mul3A_196, %dma_start3A_197] : memref<320000x128xf32, #tpu.memory_space<hbm>> -> memref<128x128xf32, #tpu.memory_space<hbm>>
        %dma_start3A_199 = arith.constant 0 : i32
        %dma_start3A_200 = tpu.memref_slice %arg2[%mul3A_196, %dma_start3A_199] : memref<320000x128xf32, #tpu.memory_space<hbm>> -> memref<128x128xf32, #tpu.memory_space<hbm>>
        tpu.enqueue_dma source(%dma_start3A_200 : memref<128x128xf32, #tpu.memory_space<hbm>>) target(%arg7 : memref<128x128xf32, #tpu.memory_space<vmem>>) target_semaphore(%arg17 : memref<!tpu.dma_semaphore, #tpu.memory_space<semaphore_mem>>)
        %dma_start3A_201 = tpu.memref_slice %arg3[%mul3A_196] : memref<320000xi32, #tpu.memory_space<hbm>> -> memref<128xi32, #tpu.memory_space<hbm>>
        %dma_start3A_202 = tpu.memref_slice %arg3[%mul3A_196] : memref<320000xi32, #tpu.memory_space<hbm>> -> memref<128xi32, #tpu.memory_space<hbm>>
        tpu.enqueue_dma source(%dma_start3A_202 : memref<128xi32, #tpu.memory_space<hbm>>) target(%arg9 : memref<128xi32, #tpu.memory_space<vmem>>) target_semaphore(%arg19 : memref<!tpu.dma_semaphore, #tpu.memory_space<semaphore_mem>>)
      } else {
      }
      "tpu.region"() ({
        %run_scoped3A = tpu.sem_alloc : memref<!tpu.dma_semaphore, #tpu.memory_space<semaphore_mem>>
        %dma_start3A_190 = arith.constant 0 : i32
        %dma_start3A_191 = tpu.memref_slice %arg16[%dma_start3A_190] : memref<10240xf32, #tpu.memory_space<vmem_shared>> -> memref<10240xf32, #tpu.memory_space<vmem_shared>>
        tpu.enqueue_indirect_dma source(%arg13 : memref<128xf32, #tpu.memory_space<vmem>>) target(%dma_start3A_191 : memref<10240xf32, #tpu.memory_space<vmem_shared>>) offsets(%arg11 : memref<128xi32, #tpu.memory_space<vmem>>) semaphore(%run_scoped3A : memref<!tpu.dma_semaphore, #tpu.memory_space<semaphore_mem>>) {add = true}
        %dma_wait3A_192 = arith.constant 0 : i32
        %dma_wait3A_193 = tpu.memref_slice %arg16[%dma_wait3A_192] : memref<10240xf32, #tpu.memory_space<vmem_shared>> -> memref<10240xf32, #tpu.memory_space<vmem_shared>>
        tpu.wait_indirect_dma semaphore(%run_scoped3A : memref<!tpu.dma_semaphore, #tpu.memory_space<semaphore_mem>>) src(%arg13 : memref<128xf32, #tpu.memory_space<vmem>>) dst(%dma_wait3A_193 : memref<10240xf32, #tpu.memory_space<vmem_shared>>)
        tpu.yield
      }) : () -> ()
      %add3A_166 = arith.constant 3 : i32
      %add3A_167 = arith.addi %mul3A_101, %add3A_166 : i32
      %dma_wait3A_168 = arith.constant 0 : i32
      %dma_wait3A_169 = tpu.memref_slice %arg3[%dma_wait3A_168] : memref<320000xi32, #tpu.memory_space<hbm>> -> memref<128xi32, #tpu.memory_space<hbm>>
      %dma_wait3A_170 = arith.constant 0 : i32
      %dma_wait3A_171 = tpu.memref_slice %arg3[%dma_wait3A_170] : memref<320000xi32, #tpu.memory_space<hbm>> -> memref<128xi32, #tpu.memory_space<hbm>>
      tpu.wait_dma2 semaphore(%arg22 : memref<!tpu.dma_semaphore, #tpu.memory_space<semaphore_mem>>) src(%dma_wait3A_171 : memref<128xi32, #tpu.memory_space<hbm>>) dst(%arg12 : memref<128xi32, #tpu.memory_space<vmem>>)
      %ge3A_172 = arith.cmpi sge, %add3A_167, %sub3A_63 : i32
      %convert_element_type3A_173 = arith.extui %ge3A_172 : i1 to i32
      %cond3A_174 = arith.constant 0 : i32
      %cond3A_175 = arith.cmpi ne, %convert_element_type3A_173, %cond3A_174 : i32
      scf.if %cond3A_175 {
        %broadcast_in_dim3A_190 = arith.constant 10000 : i32
        %broadcast_in_dim3A_191 = vector.broadcast %broadcast_in_dim3A_190 : i32 to vector<16xi32>
        %swap3A = arith.constant 0 : index
        %swap3A_192 = tpu.vector_load %arg12[%swap3A] {strides = array<i32>} : memref<128xi32, #tpu.memory_space<vmem>>, vector<16xi32>,
        %swap3A_193 = vector.shape_cast %swap3A_192 : vector<16xi32> to vector<16xi32>
        %swap3A_194 = vector.shape_cast %broadcast_in_dim3A_191 : vector<16xi32> to vector<16xi32>
        tpu.vector_store %arg12[%swap3A], %swap3A_194 {strides = array<i32>} : memref<128xi32, #tpu.memory_space<vmem>>, vector<16xi32>,
        %swap3A_195 = arith.constant 16 : index
        %swap3A_196 = tpu.vector_load %arg12[%swap3A_195] {strides = array<i32>} : memref<128xi32, #tpu.memory_space<vmem>>, vector<16xi32>,
        %swap3A_197 = vector.shape_cast %swap3A_196 : vector<16xi32> to vector<16xi32>
        %swap3A_198 = vector.shape_cast %broadcast_in_dim3A_191 : vector<16xi32> to vector<16xi32>
        tpu.vector_store %arg12[%swap3A_195], %swap3A_198 {strides = array<i32>} : memref<128xi32, #tpu.memory_space<vmem>>, vector<16xi32>,
        %swap3A_199 = arith.constant 32 : index
        %swap3A_200 = tpu.vector_load %arg12[%swap3A_199] {strides = array<i32>} : memref<128xi32, #tpu.memory_space<vmem>>, vector<16xi32>,
        %swap3A_201 = vector.shape_cast %swap3A_200 : vector<16xi32> to vector<16xi32>
        %swap3A_202 = vector.shape_cast %broadcast_in_dim3A_191 : vector<16xi32> to vector<16xi32>
        tpu.vector_store %arg12[%swap3A_199], %swap3A_202 {strides = array<i32>} : memref<128xi32, #tpu.memory_space<vmem>>, vector<16xi32>,
        %swap3A_203 = arith.constant 48 : index
        %swap3A_204 = tpu.vector_load %arg12[%swap3A_203] {strides = array<i32>} : memref<128xi32, #tpu.memory_space<vmem>>, vector<16xi32>,
        %swap3A_205 = vector.shape_cast %swap3A_204 : vector<16xi32> to vector<16xi32>
        %swap3A_206 = vector.shape_cast %broadcast_in_dim3A_191 : vector<16xi32> to vector<16xi32>
        tpu.vector_store %arg12[%swap3A_203], %swap3A_206 {strides = array<i32>} : memref<128xi32, #tpu.memory_space<vmem>>, vector<16xi32>,
        %swap3A_207 = arith.constant 64 : index
        %swap3A_208 = tpu.vector_load %arg12[%swap3A_207] {strides = array<i32>} : memref<128xi32, #tpu.memory_space<vmem>>, vector<16xi32>,
        %swap3A_209 = vector.shape_cast %swap3A_208 : vector<16xi32> to vector<16xi32>
        %swap3A_210 = vector.shape_cast %broadcast_in_dim3A_191 : vector<16xi32> to vector<16xi32>
        tpu.vector_store %arg12[%swap3A_207], %swap3A_210 {strides = array<i32>} : memref<128xi32, #tpu.memory_space<vmem>>, vector<16xi32>,
        %swap3A_211 = arith.constant 80 : index
        %swap3A_212 = tpu.vector_load %arg12[%swap3A_211] {strides = array<i32>} : memref<128xi32, #tpu.memory_space<vmem>>, vector<16xi32>,
        %swap3A_213 = vector.shape_cast %swap3A_212 : vector<16xi32> to vector<16xi32>
        %swap3A_214 = vector.shape_cast %broadcast_in_dim3A_191 : vector<16xi32> to vector<16xi32>
        tpu.vector_store %arg12[%swap3A_211], %swap3A_214 {strides = array<i32>} : memref<128xi32, #tpu.memory_space<vmem>>, vector<16xi32>,
        %swap3A_215 = arith.constant 96 : index
        %swap3A_216 = tpu.vector_load %arg12[%swap3A_215] {strides = array<i32>} : memref<128xi32, #tpu.memory_space<vmem>>, vector<16xi32>,
        %swap3A_217 = vector.shape_cast %swap3A_216 : vector<16xi32> to vector<16xi32>
        %swap3A_218 = vector.shape_cast %broadcast_in_dim3A_191 : vector<16xi32> to vector<16xi32>
        tpu.vector_store %arg12[%swap3A_215], %swap3A_218 {strides = array<i32>} : memref<128xi32, #tpu.memory_space<vmem>>, vector<16xi32>,
        %swap3A_219 = arith.constant 112 : index
        %swap3A_220 = tpu.vector_load %arg12[%swap3A_219] {strides = array<i32>} : memref<128xi32, #tpu.memory_space<vmem>>, vector<16xi32>,
        %swap3A_221 = vector.shape_cast %swap3A_220 : vector<16xi32> to vector<16xi32>
        %swap3A_222 = vector.shape_cast %broadcast_in_dim3A_191 : vector<16xi32> to vector<16xi32>
        tpu.vector_store %arg12[%swap3A_219], %swap3A_222 {strides = array<i32>} : memref<128xi32, #tpu.memory_space<vmem>>, vector<16xi32>,
      } else {
      }
      %dma_wait3A_176 = arith.constant 0 : i32
      %dma_wait3A_177 = arith.constant 0 : i32
      %dma_wait3A_178 = tpu.memref_slice %arg2[%dma_wait3A_176, %dma_wait3A_177] : memref<320000x128xf32, #tpu.memory_space<hbm>> -> memref<128x128xf32, #tpu.memory_space<hbm>>
      %dma_wait3A_179 = arith.constant 0 : i32
      %dma_wait3A_180 = arith.constant 0 : i32
      %dma_wait3A_181 = tpu.memref_slice %arg2[%dma_wait3A_179, %dma_wait3A_180] : memref<320000x128xf32, #tpu.memory_space<hbm>> -> memref<128x128xf32, #tpu.memory_space<hbm>>
      tpu.wait_dma2 semaphore(%arg18 : memref<!tpu.dma_semaphore, #tpu.memory_space<semaphore_mem>>) src(%dma_wait3A_181 : memref<128x128xf32, #tpu.memory_space<hbm>>) dst(%arg8 : memref<128x128xf32, #tpu.memory_space<vmem>>)
      "tpu.region"() ({
        %run_scoped3A = tpu.sem_alloc : memref<!tpu.dma_semaphore, #tpu.memory_space<semaphore_mem>>
        %dma_start3A_190 = arith.constant 0 : i32
        %dma_start3A_191 = arith.constant 0 : i32
        %dma_start3A_192 = tpu.memref_slice %arg15[%dma_start3A_190, %dma_start3A_191] : memref<10240x128xf32, #tpu.memory_space<vmem_shared>> -> memref<10240x128xf32, #tpu.memory_space<vmem_shared>>
        tpu.enqueue_indirect_dma source(%arg8 : memref<128x128xf32, #tpu.memory_space<vmem>>) target(%dma_start3A_192 : memref<10240x128xf32, #tpu.memory_space<vmem_shared>>) offsets(%arg12 : memref<128xi32, #tpu.memory_space<vmem>>) semaphore(%run_scoped3A : memref<!tpu.dma_semaphore, #tpu.memory_space<semaphore_mem>>) {add = true}
        %dma_wait3A_193 = arith.constant 0 : i32
        %dma_wait3A_194 = arith.constant 0 : i32
        %dma_wait3A_195 = tpu.memref_slice %arg15[%dma_wait3A_193, %dma_wait3A_194] : memref<10240x128xf32, #tpu.memory_space<vmem_shared>> -> memref<10240x128xf32, #tpu.memory_space<vmem_shared>>
        tpu.wait_indirect_dma semaphore(%run_scoped3A : memref<!tpu.dma_semaphore, #tpu.memory_space<semaphore_mem>>) src(%arg8 : memref<128x128xf32, #tpu.memory_space<vmem>>) dst(%dma_wait3A_195 : memref<10240x128xf32, #tpu.memory_space<vmem_shared>>)
        tpu.yield
      }) : () -> ()
      %add3A_182 = arith.constant 2 : i32
      %add3A_183 = arith.addi %add3A_167, %add3A_182 : i32
      %lt3A_184 = arith.constant 80 : i32
      %lt3A_185 = arith.cmpi slt, %add3A_183, %lt3A_184 : i32
      %convert_element_type3A_186 = arith.extui %lt3A_185 : i1 to i32
      %cond3A_187 = arith.constant 0 : i32
      %cond3A_188 = arith.cmpi ne, %convert_element_type3A_186, %cond3A_187 : i32
      scf.if %cond3A_188 {
        %add3A_190 = arith.constant 2 : i32
        %add3A_191 = arith.addi %add3A_167, %add3A_190 : i32
        %lt3A_192 = arith.cmpi slt, %add3A_191, %sub3A_63 : i32
        %add3A_193 = arith.addi %select_n3A, %add3A_191 : i32
        %select_n3A_194 = arith.select %lt3A_192, %add3A_193, %select_n3A : i32
        %mul3A_195 = arith.constant 128 : i32
        %mul3A_196 = arith.muli %select_n3A_194, %mul3A_195 : i32
        %dma_start3A_197 = arith.constant 0 : i32
        %dma_start3A_198 = tpu.memref_slice %arg2[%mul3A_196, %dma_start3A_197] : memref<320000x128xf32, #tpu.memory_space<hbm>> -> memref<128x128xf32, #tpu.memory_space<hbm>>
        %dma_start3A_199 = arith.constant 0 : i32
        %dma_start3A_200 = tpu.memref_slice %arg2[%mul3A_196, %dma_start3A_199] : memref<320000x128xf32, #tpu.memory_space<hbm>> -> memref<128x128xf32, #tpu.memory_space<hbm>>
        tpu.enqueue_dma source(%dma_start3A_200 : memref<128x128xf32, #tpu.memory_space<hbm>>) target(%arg8 : memref<128x128xf32, #tpu.memory_space<vmem>>) target_semaphore(%arg18 : memref<!tpu.dma_semaphore, #tpu.memory_space<semaphore_mem>>)
        %dma_start3A_201 = tpu.memref_slice %arg3[%mul3A_196] : memref<320000xi32, #tpu.memory_space<hbm>> -> memref<128xi32, #tpu.memory_space<hbm>>
        %dma_start3A_202 = tpu.memref_slice %arg3[%mul3A_196] : memref<320000xi32, #tpu.memory_space<hbm>> -> memref<128xi32, #tpu.memory_space<hbm>>
        tpu.enqueue_dma source(%dma_start3A_202 : memref<128xi32, #tpu.memory_space<hbm>>) target(%arg10 : memref<128xi32, #tpu.memory_space<vmem>>) target_semaphore(%arg20 : memref<!tpu.dma_semaphore, #tpu.memory_space<semaphore_mem>>)
      } else {
      }
      "tpu.region"() ({
        %run_scoped3A = tpu.sem_alloc : memref<!tpu.dma_semaphore, #tpu.memory_space<semaphore_mem>>
        %dma_start3A_190 = arith.constant 0 : i32
        %dma_start3A_191 = tpu.memref_slice %arg16[%dma_start3A_190] : memref<10240xf32, #tpu.memory_space<vmem_shared>> -> memref<10240xf32, #tpu.memory_space<vmem_shared>>
        tpu.enqueue_indirect_dma source(%arg13 : memref<128xf32, #tpu.memory_space<vmem>>) target(%dma_start3A_191 : memref<10240xf32, #tpu.memory_space<vmem_shared>>) offsets(%arg12 : memref<128xi32, #tpu.memory_space<vmem>>) semaphore(%run_scoped3A : memref<!tpu.dma_semaphore, #tpu.memory_space<semaphore_mem>>) {add = true}
        %dma_wait3A_192 = arith.constant 0 : i32
        %dma_wait3A_193 = tpu.memref_slice %arg16[%dma_wait3A_192] : memref<10240xf32, #tpu.memory_space<vmem_shared>> -> memref<10240xf32, #tpu.memory_space<vmem_shared>>
        tpu.wait_indirect_dma semaphore(%run_scoped3A : memref<!tpu.dma_semaphore, #tpu.memory_space<semaphore_mem>>) src(%arg13 : memref<128xf32, #tpu.memory_space<vmem>>) dst(%dma_wait3A_193 : memref<10240xf32, #tpu.memory_space<vmem_shared>>)
        tpu.yield
      }) : () -> ()
      %scan3A_189 = arith.constant 0 : i32
      scf.yield %scan3A_189 : i32
    }
    %scan3A_96 = arith.constant 20 : i32
    %barrier3A_97 = arith.constant 0 : index
    tpu.barrier barrier_id(%barrier3A_97)
    "tpu.region"() ({
      %run_scoped3A = tpu.sem_alloc : memref<!tpu.dma_semaphore, #tpu.memory_space<semaphore_mem>>
      %dma_start3A_98 = arith.constant 0 : i32
      %dma_start3A_99 = arith.constant 0 : i32
      %dma_start3A_100 = tpu.memref_slice %arg5[%arg0, %dma_start3A_98, %dma_start3A_99] : memref<2x10240x128xf32, #tpu.memory_space<hbm>> -> memref<1x10240x128xf32, #tpu.memory_space<hbm>>
      %dma_start3A_101 = tpu.memref_squeeze %dma_start3A_100 : memref<1x10240x128xf32, #tpu.memory_space<hbm>> -> memref<10240x128xf32, #tpu.memory_space<hbm>>
      %dma_start3A_102 = arith.constant 0 : i32
      %dma_start3A_103 = tpu.memref_slice %dma_start3A_101[%mul3A_89, %dma_start3A_102] : memref<10240x128xf32, #tpu.memory_space<hbm>> -> memref<640x128xf32, #tpu.memory_space<hbm>>
      %dma_start3A_104 = arith.constant 0 : i32
      %dma_start3A_105 = tpu.memref_slice %arg15[%mul3A_89, %dma_start3A_104] : memref<10240x128xf32, #tpu.memory_space<vmem_shared>> -> memref<640x128xf32, #tpu.memory_space<vmem_shared>>
      tpu.enqueue_dma source(%dma_start3A_105 : memref<640x128xf32, #tpu.memory_space<vmem_shared>>) target(%dma_start3A_103 : memref<640x128xf32, #tpu.memory_space<hbm>>) target_semaphore(%run_scoped3A : memref<!tpu.dma_semaphore, #tpu.memory_space<semaphore_mem>>)
      %dma_wait3A = arith.constant 0 : i32
      %dma_wait3A_106 = arith.constant 0 : i32
      %dma_wait3A_107 = tpu.memref_slice %arg5[%arg0, %dma_wait3A, %dma_wait3A_106] : memref<2x10240x128xf32, #tpu.memory_space<hbm>> -> memref<1x10240x128xf32, #tpu.memory_space<hbm>>
      %dma_wait3A_108 = tpu.memref_squeeze %dma_wait3A_107 : memref<1x10240x128xf32, #tpu.memory_space<hbm>> -> memref<10240x128xf32, #tpu.memory_space<hbm>>
      %dma_wait3A_109 = arith.constant 0 : i32
      %dma_wait3A_110 = tpu.memref_slice %dma_wait3A_108[%mul3A_89, %dma_wait3A_109] : memref<10240x128xf32, #tpu.memory_space<hbm>> -> memref<640x128xf32, #tpu.memory_space<hbm>>
      %dma_wait3A_111 = arith.constant 0 : i32
      %dma_wait3A_112 = tpu.memref_slice %arg15[%mul3A_89, %dma_wait3A_111] : memref<10240x128xf32, #tpu.memory_space<vmem_shared>> -> memref<640x128xf32, #tpu.memory_space<vmem_shared>>
      tpu.wait_dma2 semaphore(%run_scoped3A : memref<!tpu.dma_semaphore, #tpu.memory_space<semaphore_mem>>) src(%dma_wait3A_112 : memref<640x128xf32, #tpu.memory_space<vmem_shared>>) dst(%dma_wait3A_110 : memref<640x128xf32, #tpu.memory_space<hbm>>)
      tpu.yield
    }) : () -> ()
    "tpu.region"() ({
      %run_scoped3A = tpu.sem_alloc : memref<!tpu.dma_semaphore, #tpu.memory_space<semaphore_mem>>
      %dma_start3A_98 = arith.constant 0 : i32
      %dma_start3A_99 = tpu.memref_slice %arg6[%arg0, %dma_start3A_98] : memref<2x10240xf32, #tpu.memory_space<hbm>> -> memref<1x10240xf32, #tpu.memory_space<hbm>>
      %dma_start3A_100 = tpu.memref_squeeze %dma_start3A_99 : memref<1x10240xf32, #tpu.memory_space<hbm>> -> memref<10240xf32, #tpu.memory_space<hbm>>
      %dma_start3A_101 = tpu.memref_slice %dma_start3A_100[%mul3A_89] : memref<10240xf32, #tpu.memory_space<hbm>> -> memref<640xf32, #tpu.memory_space<hbm>>
      %dma_start3A_102 = tpu.memref_slice %arg16[%mul3A_89] : memref<10240xf32, #tpu.memory_space<vmem_shared>> -> memref<640xf32, #tpu.memory_space<vmem_shared>>
      tpu.enqueue_dma source(%dma_start3A_102 : memref<640xf32, #tpu.memory_space<vmem_shared>>) target(%dma_start3A_101 : memref<640xf32, #tpu.memory_space<hbm>>) target_semaphore(%run_scoped3A : memref<!tpu.dma_semaphore, #tpu.memory_space<semaphore_mem>>)
      %dma_wait3A = arith.constant 0 : i32
      %dma_wait3A_103 = tpu.memref_slice %arg6[%arg0, %dma_wait3A] : memref<2x10240xf32, #tpu.memory_space<hbm>> -> memref<1x10240xf32, #tpu.memory_space<hbm>>
      %dma_wait3A_104 = tpu.memref_squeeze %dma_wait3A_103 : memref<1x10240xf32, #tpu.memory_space<hbm>> -> memref<10240xf32, #tpu.memory_space<hbm>>
      %dma_wait3A_105 = tpu.memref_slice %dma_wait3A_104[%mul3A_89] : memref<10240xf32, #tpu.memory_space<hbm>> -> memref<640xf32, #tpu.memory_space<hbm>>
      %dma_wait3A_106 = tpu.memref_slice %arg16[%mul3A_89] : memref<10240xf32, #tpu.memory_space<vmem_shared>> -> memref<640xf32, #tpu.memory_space<vmem_shared>>
      tpu.wait_dma2 semaphore(%run_scoped3A : memref<!tpu.dma_semaphore, #tpu.memory_space<semaphore_mem>>) src(%dma_wait3A_106 : memref<640xf32, #tpu.memory_space<vmem_shared>>) dst(%dma_wait3A_105 : memref<640xf32, #tpu.memory_space<hbm>>)
      tpu.yield
    }) : () -> ()
    return
  }
}

module attributes {stable_mosaic.version = 14 : i64} {
  func.func @_phase2_body(%arg0: i32, %arg1: memref<2x512x128xf32, #tpu.memory_space<vmem>>, %arg2: memref<2x512xf32, #tpu.memory_space<vmem>>, %arg3: memref<512x128xf32, #tpu.memory_space<vmem>>) attributes {dimension_semantics = [#tpu.dimension_semantics<arbitrary>], iteration_bounds = array<i64: 20>, scalar_prefetch = 0 : i64, scratch_operands = 0 : i64, tpu.core_type = #tpu.core_type<tc>, window_params = [{transform_indices = @transform_0, window_bounds = array<i64: 2, 512, 128>}, {transform_indices = @transform_1, window_bounds = array<i64: 2, 512>}, {transform_indices = @transform_2, window_bounds = array<i64: 512, 128>}]} {
    %get3A = arith.constant 0 : index
    %get3A_0 = arith.constant 0 : index
    %get3A_1 = vector.load %arg2[%get3A, %get3A_0] : memref<2x512xf32, #tpu.memory_space<vmem>>, vector<2x512xf32>
    %slice3A = vector.extract_strided_slice %get3A_1 {offsets = [0, 0], sizes = [1, 512], strides = [1, 1]} : vector<2x512xf32> to vector<1x512xf32>
    %slice3A_2 = vector.extract_strided_slice %get3A_1 {offsets = [1, 0], sizes = [1, 512], strides = [1, 1]} : vector<2x512xf32> to vector<1x512xf32>
    %add3A = arith.addf %slice3A, %slice3A_2 : vector<1x512xf32>
    %transpose3A = tpu.transpose %add3A, [1, 0] : vector<1x512xf32> -> vector<512x1xf32>
    %get3A_3 = arith.constant 0 : index
    %get3A_4 = arith.constant 0 : index
    %get3A_5 = arith.constant 0 : index
    %get3A_6 = vector.load %arg1[%get3A_3, %get3A_4, %get3A_5] : memref<2x512x128xf32, #tpu.memory_space<vmem>>, vector<1x512x128xf32>
    %get3A_7 = vector.shape_cast %get3A_6 : vector<1x512x128xf32> to vector<512x128xf32>
    %get3A_8 = arith.constant 1 : index
    %get3A_9 = arith.constant 0 : index
    %get3A_10 = arith.constant 0 : index
    %get3A_11 = vector.load %arg1[%get3A_8, %get3A_9, %get3A_10] : memref<2x512x128xf32, #tpu.memory_space<vmem>>, vector<1x512x128xf32>
    %get3A_12 = vector.shape_cast %get3A_11 : vector<1x512x128xf32> to vector<512x128xf32>
    %add3A_13 = arith.addf %get3A_7, %get3A_12 : vector<512x128xf32>
    %max3A = arith.constant 1.000000e+00 : f32
    %max3A_14 = vector.broadcast %max3A : f32 to vector<512x1xf32>
    %max3A_15 = arith.maximumf %transpose3A, %max3A_14 : vector<512x1xf32>
    %div3A = vector.broadcast %max3A_15 : vector<512x1xf32> to vector<512x128xf32>
    %div3A_16 = arith.divf %add3A_13, %div3A : vector<512x128xf32>
    %swap3A = arith.constant 0 : index
    %swap3A_17 = arith.constant 0 : index
    %swap3A_18 = vector.load %arg3[%swap3A, %swap3A_17] : memref<512x128xf32, #tpu.memory_space<vmem>>, vector<512x128xf32>
    tpu.vector_store %arg3[%swap3A, %swap3A_17], %div3A_16 {strides = array<i32>} : memref<512x128xf32, #tpu.memory_space<vmem>>, vector<512x128xf32>,
    return
  }
  func.func @transform_0(%arg0: i32) -> (i32, i32, i32) {
    %c0_i32 = arith.constant 0 : i32
    %c0_i32_0 = arith.constant 0 : i32
    %c0_i32_1 = arith.constant 0 : i32
    return %c0_i32, %arg0, %c0_i32_0 : i32, i32, i32
  }
  func.func @transform_1(%arg0: i32) -> (i32, i32) {
    %c0_i32 = arith.constant 0 : i32
    %c0_i32_0 = arith.constant 0 : i32
    return %c0_i32, %arg0 : i32, i32
  }
  func.func @transform_2(%arg0: i32) -> (i32, i32) {
    %c0_i32 = arith.constant 0 : i32
    %c0_i32_0 = arith.constant 0 : i32
    return %arg0, %c0_i32 : i32, i32
  }
}

</mosaic_0001>

<sc_bundles>
// kernel: kernel.4.cloned.1.call-start
scs
__scs_entry_jumppad:
0x0: {  	(pc) =	sbr.rel $0x88, $3  }
0x1: {  	(tag) =	ssettag $0x0;
	lr =	simm.s32 $0x1  }
0x2: {  	[smem:$0x3F9F] =	sst lr;
	_ =	strace $0xD0000000  }
0x3: {  	_ = 	snop  }
0x4: {  	_ = 	snop  }
0x5: {  	_ = 	snop  }
0x6: {  	_ = 	snop  }
0x7: {  	_ = 	snop  }
__scs_overlays_trampoline_lowered:
0x8: {  	[smem:$0x3FAE] =	sst s0  }
0x9: {  	[smem:$0x3FAF] =	sst s1  }
0xa: {  	[smem:$0x3FB0] =	sst s2  }
0xb: {  	[smem:$0x3FB1] =	sst s3  }
0xc: {  	[smem:$0x3FB2] =	sst s4  }
0xd: {  	[smem:$0x3FB3] =	sst s5  }
0xe: {  	[smem:$0x3FB4] =	sst s6  }
0xf: {  	[smem:$0x3FB5] =	sst s7  }
0x10: {  	[smem:$0x3FB6] =	sst s8  }
0x11: {  	[smem:$0x3FB7] =	sst s9;
	s0 =	simm.s32 @!p0 $0x0  }
0x12: {  	s1 =	sld [smem:$0x3F9D];
	s0 =	simm.s32 @p0 $0x1  }
0x13: {  	[smem:$0x3FB8] =	sst s0;
	s0 =	simm.s32 @!p1 $0x0  }
0x14: {  	s2 =	sld [smem:$0x3F9C];
	s0 =	simm.s32 @p1 $0x1  }
0x15: {  	[smem:$0x3FB9] =	sst s0;
	s0 =	simm.s32 @!p2 $0x0  }
0x16: {  	s3 =	sld [smem:$0x3FDB];
	s0 =	simm.s32 @p2 $0x1  }
0x17: {  	s4 =	simm.s32 $0x1BF5;
	[smem:$0x3FBB] =	sst s0  }
0x18: {  	s0 =	sld [smem:$0x3F9E];
	_ =	swait.ge [sflag:s4], $0x0  }
0x19: {  	s7 =	sld [smem:$0x3F9F]  }
0x1a: {  	s8 =	sadd.s32 $0xFFFFE003, lr  }
0x1b: {  	s9 =	sadd.s32 $0xFFFFFEF7, lr;
	s5 =	simm.s32 $0xFFFFFFFF;
	p2 =	slt.u32 s8, $0xFFFFF086  }
0x1c: {  	p1 =	slt.u32 s9, $0xF7A;
	s5 =	simm.s32 @!p2 $0x0  }
0x1d: {  	s5 =	simm.s32 @p1 $0x1;
	p0 =	seq.s32 s7, s2  }
0x1e: {  	s7 =	smul.u32 @!p0 $0xF7A, s2;
	p2 =	seq.s32 @!p0 s5, $0x0  }
0x1f: {  	s9 =	smul.u32 $0xF7A, s1;
	s8 =	simm.s32 @!p0 $0x1BF5;
	p2 =	por !p2, p0  }
0x20: {  	[sflag:s8] =	ssyncset.s32 @!p0 $0xFFFFF086;
	s6 =	sadd.s32 @!p0 s3, s7;
	s7 =	simm.s32 @!p0 $0x108  }
0x21: {  	s3 =	sadd.s32 s3, s9;
	s6 =	sadd.s32 @!p0 $0x88, s6;
	s7 =	simm.s32 @p2 $0x1082  }
0x22: {  	[simem:s7], [sflag:s8] =	dma.local @!p0 [hbm:s6], $0xF7A  }
0x23: {  	s9 =	sor.u32 $0xD0000000, s2;
	s6 =	simm.s32 $0x108;
	_ =	swait.ge @!p0 [sflag:s8], $0x0  }
0x24: {  	s3 =	sadd.s32 $0x88, s3;
	s6 =	simm.s32 @!p1 $0x1082;
	[sflag:s4] =	ssyncset.s32 $0xFFFFF086  }
0x25: {  	[simem:s6], [sflag:s4] =	dma.local [hbm:s3], $0xF7A  }
0x26: {  	[smem:$0x3F9F] =	sst s1;
	(tag) =	ssettag s2;
	_ =	strace s9  }
0x27: {  	s1 =	sld [smem:$0x3FAF]  }
0x28: {  	s2 =	sld [smem:$0x3FB0]  }
0x29: {  	s4 =	sld [smem:$0x3FB2]  }
0x2a: {  	p0 =	seq.s32 s5, $0x0;
	s5 =	sld [smem:$0x3FB3]  }
0x2b: {  	s6 =	sld [smem:$0x3FB4]  }
0x2c: {  	s7 =	sld [smem:$0x3FB5]  }
0x2d: {  	s3 =	simm.s32 $0x108;
	s8 =	sld [smem:$0x3FB6]  }
0x2e: {  	s3 =	simm.s32 @!p0 $0x1082;
	s9 =	sld [smem:$0x3FB7]  }
0x2f: {  	lr =	sadd.s32 s0, s3;
	s0 =	sld [smem:$0x3FAE]  }
0x30: {  	s3 =	sld [smem:$0x3FB1]  }
0x31: {  	[smem:$0x3FBA] =	sst s10  }
0x32: {  	s10 =	sld [smem:$0x3FB8];
	_ =	sdelay $0x3  }
0x33: {  	p0 =	seq.s32 s10, $0x1;
	s10 =	sld [smem:$0x3FBA];
	_ =	sdelay $0x3  }
0x34: {  	[smem:$0x3FBA] =	sst s10  }
0x35: {  	s10 =	sld [smem:$0x3FB9];
	_ =	sdelay $0x3  }
0x36: {  	p1 =	seq.s32 s10, $0x1;
	s10 =	sld [smem:$0x3FBA];
	_ =	sdelay $0x3  }
0x37: {  	[smem:$0x3FBA] =	sst s10  }
0x38: {  	s10 =	sld [smem:$0x3FBB]  }
0x39: {  	_ = 	snop;
	(pc) =	sbr.ind lr, $3  }
0x3a: {  	_ = 	snop  }
0x3b: {  	_ = 	snop  }
0x3c: {  	p2 =	seq.s32 s10, $0x1;
	s10 =	sld [smem:$0x3FBA]  }
0x3d: {  	_ =	shalt  }
0x3e: {  	_ =	shalt  }
0x3f: {  	_ =	shalt  }
0x40: {  	_ =	shalt  }
0x41: {  	_ =	shalt  }
0x42: {  	_ =	shalt  }
0x43: {  	_ =	shalt  }
0x44: {  	_ =	shalt  }
0x45: {  	_ =	shalt  }
0x46: {  	_ =	shalt  }
0x47: {  	_ =	shalt  }
0x48: {  	_ =	shalt  }
0x49: {  	_ =	shalt  }
0x4a: {  	_ =	shalt  }
0x4b: {  	_ =	shalt  }
0x4c: {  	_ =	shalt  }
0x4d: {  	_ =	shalt  }
0x4e: {  	_ =	shalt  }
0x4f: {  	_ =	shalt  }
0x50: {  	_ =	shalt  }
0x51: {  	_ =	shalt  }
0x52: {  	_ =	shalt  }
0x53: {  	_ =	shalt  }
0x54: {  	_ =	shalt  }
0x55: {  	_ =	shalt  }
0x56: {  	_ =	shalt  }
0x57: {  	_ =	shalt  }
0x58: {  	_ =	shalt  }
0x59: {  	_ =	shalt  }
0x5a: {  	_ =	shalt  }
0x5b: {  	_ =	shalt  }
0x5c: {  	_ =	shalt  }
0x5d: {  	_ =	shalt  }
0x5e: {  	_ =	shalt  }
0x5f: {  	_ =	shalt  }
0x60: {  	_ =	shalt  }
0x61: {  	_ =	shalt  }
0x62: {  	_ =	shalt  }
0x63: {  	_ =	shalt  }
0x64: {  	_ =	shalt  }
0x65: {  	_ =	shalt  }
0x66: {  	_ =	shalt  }
0x67: {  	_ =	shalt  }
0x68: {  	_ =	shalt  }
0x69: {  	_ =	shalt  }
0x6a: {  	_ =	shalt  }
0x6b: {  	_ =	shalt  }
0x6c: {  	_ =	shalt  }
0x6d: {  	_ =	shalt  }
0x6e: {  	_ =	shalt  }
0x6f: {  	_ =	shalt  }
0x70: {  	_ =	shalt  }
0x71: {  	_ =	shalt  }
0x72: {  	_ =	shalt  }
0x73: {  	_ =	shalt  }
0x74: {  	_ =	shalt  }
0x75: {  	_ =	shalt  }
0x76: {  	_ =	shalt  }
0x77: {  	_ =	shalt  }
0x78: {  	_ =	shalt  }
0x79: {  	_ =	shalt  }
0x7a: {  	_ =	shalt  }
0x7b: {  	_ =	shalt  }
0x7c: {  	_ =	shalt  }
0x7d: {  	_ =	shalt  }
0x7e: {  	_ =	shalt  }
0x7f: {  	_ =	shalt  }
0x80: {  	_ =	shalt  }
0x81: {  	_ =	shalt  }
0x82: {  	_ =	shalt  }
0x83: {  	_ =	shalt  }
0x84: {  	_ =	shalt  }
0x85: {  	_ =	shalt  }
0x86: {  	_ =	shalt  }
0x87: {  	_ =	shalt  }
.Lfunc_end0:
.L_simem_size_0:
called_computation_lowered:
.L_overlay_start_0:
0x88: {  	s2 =	sld [smem:$0x3FD9]  }
0x89: {  	s3 =	sld [smem:$0x3FFE];
	_ =	sdelay $0x1  }
0x8a: {  	s1 =	srdreg.scid  }
0x8b: {  	s0 =	sand.u32 $0x1, s1  }
0x8c: {  	s17 =	sshll.u32 s0, $0xA;
	s2 =	sadd.s32 s3, s2  }
0x8d: {  	s2 =	sadd.s32 s2, s17  }
0x8e: {  	[smem:$0x3FC6] =	sst s2  }
0x8f: {  	_ = 	snop  }
0x90: {  	s2 =	sld [smem:$0x3FC9]  }
0x91: {  	s18 =	sld [smem:$0x3FC8]  }
0x92: {  	s4 =	sld [smem:$0x3FD0];
	(tm) =	ssettm $0x1  }
0x93: {  	s5 =	sld [smem:$0x3FFB];
	_ =	sdelay $0x3  }
0x94: {  	_ =	strace s5  }
0x95: {  	s5 =	sld [smem:$0x3FFC];
	_ =	sdelay $0x3  }
0x96: {  	_ =	strace s5  }
0x97: {  	s5 =	sld [smem:$0x3FFD];
	_ =	sdelay $0x3  }
0x98: {  	_ =	strace s5  }
0x99: {  	_ =	strace $0x8FFFFFFF  }
0x9a: {  	s19 =	sld [smem:$0x3FDB];
	_ =	sdelay $0x1  }
0x9b: {  	s6 =	simm.s32 $_scs_section_size  }
0x9c: {  	s7 =	simm.s32 $_size__tile_overlayer_lowered;
	s8 =	simm.s32 $_tile_overlayer_lowered  }
0x9d: {  	s22 =	simm.s32 $0x1BFF;
	s21 =	sshll.u32 s8, $0x1;
	s5 =	sadd.s32 s6, s19  }
0x9e: {  	s9 =	simm.s32 $0x0;
	s20 =	sshll.u32 s7, $0x1;
	s7 =	sadd.s32 s21, s5  }
0x9f: {  	[timem:s9], [sflag:s22] =	dma.local [hbm:s7], s20  }
0xa0: {  	_ =	swait.ge [sflag:s22], s20  }
0xa1: {  	s6 =	ssub.s32 $0x0, s20;
	[sflag:s22] =	ssyncset.done $0x0  }
0xa2: {  	[sflag:s22] =	ssyncadd.s32 s6;
	_ =	sdelay $0x1  }
0xa3: {  	s23 =	simm.s32 $0x1B8B  }
0xa4: {  	_ =	swait.ge [sflag:s23], $0x1  }
0xa5: {  	[sflag:s23] =	ssyncset.done $0x0  }
0xa6: {  	s25 =	simm.s32 $0x1B8E;
	s24 =	sld [smem:$0x3FFE];
	[sflag:s23] =	ssyncadd.s32 $0xFFFFFFFF  }
0xa7: {  	s26 =	simm.s32 $execute0_lowered;
	[smem:$0x3FD2] =	sst s25  }
0xa8: {  	s7 =	sshll.u32 s26, $0x1;
	_ =	strace $0x80000046;
	[dreg:$0x1] =	wrdreg $0xFFFFFFFF  }
0xa9: {  	s28 =	simm.s32 $_size_execute0_lowered;
	s5 =	sadd.s32 s5, s7;
	[dreg:$0x0] =	wrdreg $0x0  }
0xaa: {  	s7 =	sshll.u32 s28, $0x1;
	[dreg:$0x2] =	wrdreg s5  }
0xab: {  	[dreg:$0x3] =	wrdreg s7  }
0xac: {  	[dreg:$0x4] =	wrdreg $0xC0  }
0xad: {  	_ =	task [dreg:s9], $0x5FFFF  }
0xae: {  	[dreg:$0x1] =	wrdreg $0xFFFFFFFF  }
0xaf: {  	[dreg:$0x0] =	wrdreg $0x60  }
0xb0: {  	[dreg:$0x2] =	wrdreg s2  }
0xb1: {  	[dreg:$0x3] =	wrdreg s18  }
0xb2: {  	[dreg:$0x4] =	wrdreg s24  }
0xb3: {  	[dreg:$0x5] =	wrdreg s4  }
0xb4: {  	[dreg:$0x6] =	wrdreg $0x85000  }
0xb5: {  	[dreg:$0x7] =	wrdreg $0x1C5000  }
0xb6: {  	[dreg:$0x8] =	wrdreg $0x9  }
0xb7: {  	_ =	task.clear_ibuf [dreg:s9], $0x9FFFF;
	_ =	strace $0x90000046  }
0xb8: {  	s29 =	simm.s32 $0x9;
	_ =	strace $0x80000048  }
0xb9: {  	_ =	swait.ge [sflag:s29], $0x1  }
0xba: {  	[sflag:s29] =	ssyncadd.s32 $0xFFFFFFFF  }
0xbb: {  	_ =	strace $0x90000048  }
0xbc: {  	_ =	sfence  }
0xbd: {  	s30 =	sld [smem:$0x0];
	_ =	sdelay $0x2  }
0xbe: {  	s31 =	sshll.u32 s1, $0xD;
	s1 =	sshrl.u32 s1, $0x2  }
0xbf: {  	s3 =	sand.u32 $0x4000, s31;
	s1 =	sadd.s32 s1, s30  }
0xc0: {  	s0 =	sor.u32 s3, s0;
	s1 =	sshll.u32 s1, $0x11  }
0xc1: {  	s0 =	sor.u32 s1, s0  }
0xc2: {  	s0 =	sadd.s32 $0x8F2B, s0  }
0xc3: {  	[sflag:s0] =	ssyncadd.remote.s32 $0x1  }
0xc4: {  	_ =	sfence.sel $0xFFFF  }
0xc5: {  	[dreg:$0x0] =	wrdreg $0xFFFFFFFF;
	(pc) =	sbr.abs _section_cstart, $3  }
0xc6: {  	[dreg:$0x1] =	wrdreg $0xFFFFFFFF  }
0xc7: {  	_ =	task.clear_ibuf [dreg:s9], $0x2FFFF;
	_ =	strace $0x9FFFFFFF  }
0xc8: {  	(tm) =	ssettm $0x7FFFFFFF  }
0xc9: {  	_ =	shalt  }
tec
execute0_lowered:
.L_overlay_start_1:
0x0: {  	(tag) =	ssettag $0x1  }
0x1: {  	s1 =	rddreg [dreg:$0x0]  }
0x2: {  	s2 =	rddreg [dreg:$0x1]  }
0x3: {  	s0 =	rddreg [dreg:$0x2]  }
0x4: {  	s3 =	rddreg [dreg:$0x3];
	s19 =	stileid.u32  }
0x5: {  	s5 =	srdreg.scid;
	s4 =	rddreg [dreg:$0x4];
	s15 =	simm.s32 $0x1  }
0x6: {  	s28 =	simm.s32 $0x80;
	s29 =	simm.s32 $0x8100;
	s30 =	simm.s32 $0x8200  }
0x7: {  	s31 =	simm.s32 $0x4;
	s9 =	sand.u32 $0x1, s5;
	s12 =	smul.u32 $0x2800, s19  }
0x8: {  	s6 =	sshll.u32 s19, $0x1;
	s5 =	rddreg [dreg:$0x5];
	s16 =	smul.u32 $0x50000, s19  }
0x9: {  	s22 =	sshll.u32 s19, $0x6;
	s7 =	sor.u32 s9, s6;
	s6 =	simm.s32 $0x0  }
0xa: {  	s8 =	smul.u32 $0x28000, s9;
	s14 =	ssub.s32 $0x2, s9;
	s9 =	sshll.u32 s9, $0x4  }
0xb: {  	s10 =	smul.u32 $0x9C4, s7;
	[smem:$0x7FF] =	sst s6;
	s13 =	sadd.s32 s12, s0  }
0xc: {  	s23 =	sshrl.u32 s14, $0x1;
	s20 =	sshrl.u32 s16, $0x2;
	s16 =	sor.u32 $0x1C07, s22  }
0xd: {  	s3 =	sadd.s32 s3, s9;
	s9 =	simm.s32 $0x6;
	_ =	strace $0x80000047  }
0xe: {  	s0 =	sadd.s32 s8, s0;
	s18 =	ssub.s32 s14, s23;
	s21 =	sadd.s32 s20, s4  }
0xf: {  	s13 =	sadd.s32 $0xC00, s13;
	s20 =	simm.s32 $0x4000;
	s11 =	sadd.s32 $0x9C4, s10  }
0x10: {  	s7 =	sshrl.u32 s10, $0x5;
	s24 =	sshll.u32 s10, $0x6;
	[dreg:$0xc] =	wrdreg s21  }
0x11: {  	s10 =	sshrl.u32 s10, $0x1;
	[dreg:$0xd] =	wrdreg s13;
	s0 =	sadd.s32 $0x28C00, s0  }
0x12: {  	s21 =	simm.s32 $0x8080;
	s11 =	sshrl.u32 s11, $0x5;
	s10 =	sand.u32 $0xFFF0, s10  }
0x13: {  	s0 =	sadd.s32 s12, s0;
	s8 =	ssub.s32 s11, s7;
	s11 =	sand.u32 $0x7FF800, s24  }
0x14: {  	s10 =	sadd.s32 s2, s10;
	[dreg:$0xf] =	wrdreg s0;
	p0 =	sgt.s32 s8, $0x1  }
0x15: {  	s0 =	simm.s32 $0x8180;
	s11 =	sadd.s32 s1, s11;
	s15 =	simm.s32 @!p0 $0x0  }
0x16: {  	[dreg:$0x9] =	wrdreg s10;
	s24 =	sadd.s32 $0xFFFFFFFF, s8;
	s25 =	sadd.s32 s15, s7  }
0x17: {  	[dreg:$0x8] =	wrdreg s11;
	s11 =	simm.s32 $0x1;
	s26 =	sshll.u32 s25, $0xB  }
0x18: {  	s17 =	sshll.u32 s25, $0x4;
	s25 =	smul.u32 $0xA0, s19;
	s15 =	sand.u32 $0x1FFFF800, s26  }
0x19: {  	[dreg:$0x7] =	wrdreg s24;
	s26 =	smax.u32 s18, $0x1;
	s10 =	sadd.s32 s1, s15  }
0x1a: {  	[dreg:$0xe] =	wrdreg s26;
	s24 =	sadd.s32 s25, s3;
	s26 =	simm.s32 $0x3  }
0x1b: {  	[dreg:$0xa] =	wrdreg s10;
	s10 =	sand.u32 $0x1FFFFFF0, s17;
	s17 =	smul.u32 $0xA00, s19  }
0x1c: {  	s3 =	simm.s32 $0x2;
	s25 =	simm.s32 $0x5;
	s10 =	sadd.s32 s2, s10  }
0x1d: {  	s19 =	simm.s32 $0x8000;
	[dreg:$0xb] =	wrdreg s10;
	s23 =	sshrl.u32 s17, $0x2  }
0x1e: {  	v0 =	vimm.f32 $0.0e+00;
	v1 =	vimm.f32 $1.000000000e+00;
	s10 =	simm.s32 $0x0;
	s17 =	sadd.s32 s23, s5;
	s23 =	simm.s32 $0x7  }
.LBB2_1:
0x1f: {  	[tilespmem:$0x8280] =	vst v0  }
0x20: {  	[tilespmem:$0x8290] =	vst v0  }
0x21: {  	[tilespmem:$0x82A0] =	vst v0  }
0x22: {  	[tilespmem:$0x82B0] =	vst v0  }
0x23: {  	[tilespmem:$0x82C0] =	vst v0  }
0x24: {  	[tilespmem:$0x82D0] =	vst v0  }
0x25: {  	[tilespmem:$0x82E0] =	vst v0  }
0x26: {  	[tilespmem:$0x82F0] =	vst v0  }
0x27: {  	[tilespmem:$0x8300] =	vst v0  }
0x28: {  	[tilespmem:$0x8310] =	vst v0  }
0x29: {  	[tilespmem:$0x8320] =	vst v0  }
0x2a: {  	[tilespmem:$0x8330] =	vst v0  }
0x2b: {  	[tilespmem:$0x8340] =	vst v0  }
0x2c: {  	[tilespmem:$0x8350] =	vst v0  }
0x2d: {  	[tilespmem:$0x8360] =	vst v0  }
0x2e: {  	[tilespmem:$0x8370] =	vst v0  }
0x2f: {  	[tilespmem:$0x8380] =	vst v0  }
0x30: {  	[tilespmem:$0x8390] =	vst v0  }
0x31: {  	[tilespmem:$0x83A0] =	vst v0  }
0x32: {  	[tilespmem:$0x83B0] =	vst v0  }
0x33: {  	[tilespmem:$0x83C0] =	vst v0  }
0x34: {  	[tilespmem:$0x83D0] =	vst v0  }
0x35: {  	[tilespmem:$0x83E0] =	vst v0  }
0x36: {  	[tilespmem:$0x83F0] =	vst v0  }
0x37: {  	[tilespmem:$0x8400] =	vst v0  }
0x38: {  	[tilespmem:$0x8410] =	vst v0  }
0x39: {  	[tilespmem:$0x8420] =	vst v0  }
0x3a: {  	[tilespmem:$0x8430] =	vst v0  }
0x3b: {  	[tilespmem:$0x8440] =	vst v0  }
0x3c: {  	[tilespmem:$0x8450] =	vst v0  }
0x3d: {  	[tilespmem:$0x8460] =	vst v0  }
0x3e: {  	[tilespmem:$0x8470] =	vst v0  }
0x3f: {  	[tilespmem:$0x8480] =	vst v0  }
0x40: {  	[tilespmem:$0x8490] =	vst v0  }
0x41: {  	[tilespmem:$0x84A0] =	vst v0  }
0x42: {  	[tilespmem:$0x84B0] =	vst v0  }
0x43: {  	[tilespmem:$0x84C0] =	vst v0  }
0x44: {  	[tilespmem:$0x84D0] =	vst v0  }
0x45: {  	[tilespmem:$0x84E0] =	vst v0  }
0x46: {  	[tilespmem:$0x84F0] =	vst v0  }
0x47: {  	[tilespmem:$0x8200] =	vst v1  }
0x48: {  	[tilespmem:$0x8210] =	vst v1  }
0x49: {  	[tilespmem:$0x8220] =	vst v1  }
0x4a: {  	[tilespmem:$0x8230] =	vst v1  }
0x4b: {  	[tilespmem:$0x8240] =	vst v1  }
0x4c: {  	[tilespmem:$0x8250] =	vst v1;
	s12 =	rddreg [dreg:$0x8]  }
0x4d: {  	[tilespmem:$0x8260] =	vst v1;
	s13 =	rddreg [dreg:$0x9]  }
0x4e: {  	[tilespmem:$0x8270] =	vst v1;
	s14 =	rddreg [dreg:$0xa]  }
0x4f: {  	[tilespmem:s6], [sflag:$0x1] =	stream.linear.gather [hbm4b:s12+s6], $0x4000, $0x38;
	[tilespmem:$0x1C780] =	vst v63  }
0x50: {  	s15 =	rddreg [dreg:$0xb]  }
0x51: {  	[tilespmem:s19], [sflag:$0x3] =	stream.linear.gather [hbm4b:s13+s6], $0x80, $0x38;
	[tilespmem:$0x1C780] =	vst v63  }
0x52: {  	s18 =	rddreg [dreg:$0xc]  }
0x53: {  	[tilespmem:s20], [sflag:$0x2] =	stream.linear.gather [hbm4b:s14+s6], $0x4000, $0x38;
	[tilespmem:$0x1C780] =	vst v63  }
0x54: {  	s12 =	sshrl.u32 s18, $0x3;
	s13 =	rddreg [dreg:$0xd]  }
0x55: {  	[tilespmem:s21], [sflag:$0x4] =	stream.linear.gather [hbm4b:s15+s6], $0x80, $0x38;
	[tilespmem:$0x1C780] =	vst v63  }
0x56: {  	[spmem:s12], [sflag:s16] =	dma.local [hbm:s13], $0x2800  }
0x57: {  	_ =	swait.ge [sflag:s23], $0x2800  }
0x58: {  	[sflag:s23] =	ssyncset.done $0x0  }
0x59: {  	s22 =	simm.s32 $0x8280;
	[sflag:s23] =	ssyncadd.s32 $0xFFFFD800  }
0x5a: {  	[spmem:s17] =	stream.linear.scatter [tilespmem:s22], [sflag:$0x7], $0x280, $0x38;
	[tilespmem:$0x1C780] =	vst v63  }
0x5b: {  	_ =	swait.ge [sflag:s23], $0x280  }
0x5c: {  	[sflag:s23] =	ssyncset.done $0x0  }
0x5d: {  	[sflag:s23] =	ssyncadd.s32 $0xFFFFFD80  }
0x5e: {  	s13 =	simm.s32 $0x0;
	[bflag:$0x0] =	sbarrier.arrive $0xFFFF  }
.LBB2_2:
0x5f: {  	_ =	swait.ge [sflag:s26], $0x80  }
0x60: {  	p0 =	slt.s32 s13, s8;
	[sflag:s26] =	ssyncset.done $0x0  }
0x61: {  	v2 =	vimm.s32 @!p0 $0x2710;
	[sflag:s26] =	ssyncadd.s32 $0xFFFFFF80  }
0x62: {  	[tilespmem:$0x8000] =	vst @!p0 v2  }
0x63: {  	[tilespmem:$0x8010] =	vst @!p0 v2  }
0x64: {  	[tilespmem:$0x8020] =	vst @!p0 v2  }
0x65: {  	[tilespmem:$0x8030] =	vst @!p0 v2  }
0x66: {  	[tilespmem:$0x8040] =	vst @!p0 v2  }
0x67: {  	[tilespmem:$0x8050] =	vst @!p0 v2  }
0x68: {  	[tilespmem:$0x8060] =	vst @!p0 v2  }
0x69: {  	s14 =	sadd.s32 $0x2, s13;
	[tilespmem:$0x8070] =	vst @!p0 v2  }
0x6a: {  	p1 =	slt.s32 s14, s8;
	_ =	swait.ge [sflag:s11], $0x4000  }
0x6b: {  	s14 =	simm.s32 @!p1 $0x0;
	[sflag:s11] =	ssyncset.done $0x0  }
0x6c: {  	s14 =	sadd.s32 s7, s14;
	[sflag:s11] =	ssyncadd.s32 $0xFFFFC000  }
0x6d: {  	[spmem:s4] =	stream.indirect.scatter.add.f32 [tilespmem:s6], [sflag:$0x7], $0x80, s19, s28, $0xb8;
	[tilespmem:$0x1C780] =	vst v63  }
0x6e: {  	s15 =	sshll.u32 s14, $0xB;
	_ =	swait.ge [sflag:s23], $0x4000  }
0x6f: {  	s14 =	sshll.u32 s14, $0x4;
	s15 =	sand.u32 $0x1FFFF800, s15;
	[sflag:s23] =	ssyncset.done $0x0  }
0x70: {  	s14 =	sand.u32 $0x1FFFFFF0, s14;
	s15 =	sadd.s32 s1, s15;
	[sflag:s23] =	ssyncadd.s32 $0xFFFFC000  }
0x71: {  	[tilespmem:s6], [sflag:$0x1] =	stream.linear.gather [hbm4b:s15+s6], $0x4000, $0x38;
	[tilespmem:$0x1C780] =	vst v63  }
0x72: {  	s14 =	sadd.s32 s2, s14  }
0x73: {  	[tilespmem:s29], [sflag:$0x5] =	stream.linear.gather [hbm4b:s14+s6], $0x80, $0x38;
	[tilespmem:$0x1C780] =	vst v63  }
0x74: {  	_ = 	snop  }
0x75: {  	[spmem:s5] =	stream.indirect.scatter.add.f32 [tilespmem:s30], [sflag:$0x7], $0x1, s19, s28, $0xb8;
	[tilespmem:$0x1C780] =	vst v63  }
0x76: {  	_ =	swait.ge [sflag:s23], $0x80  }
0x77: {  	[sflag:s23] =	ssyncset.done $0x0  }
0x78: {  	[sflag:s23] =	ssyncadd.s32 $0xFFFFFF80  }
0x79: {  	_ =	swait.ge [sflag:s31], $0x80  }
0x7a: {  	s18 =	rddreg [dreg:$0x7]  }
0x7b: {  	[sflag:s31] =	ssyncset.done $0x0;
	p0 =	slt.s32 s13, s18  }
0x7c: {  	[sflag:s31] =	ssyncadd.s32 $0xFFFFFF80;
	v2 =	vimm.s32 @!p0 $0x2710  }
0x7d: {  	[tilespmem:$0x8080] =	vst @!p0 v2  }
0x7e: {  	[tilespmem:$0x8090] =	vst @!p0 v2  }
0x7f: {  	[tilespmem:$0x80A0] =	vst @!p0 v2  }
0x80: {  	[tilespmem:$0x80B0] =	vst @!p0 v2  }
0x81: {  	[tilespmem:$0x80C0] =	vst @!p0 v2  }
0x82: {  	[tilespmem:$0x80D0] =	vst @!p0 v2  }
0x83: {  	[tilespmem:$0x80E0] =	vst @!p0 v2  }
0x84: {  	s14 =	sadd.s32 $0x3, s13;
	[tilespmem:$0x80F0] =	vst @!p0 v2  }
0x85: {  	p0 =	slt.s32 s14, s8;
	_ =	swait.ge [sflag:s3], $0x4000  }
0x86: {  	s14 =	simm.s32 @!p0 $0x0;
	[sflag:s3] =	ssyncset.done $0x0  }
0x87: {  	s14 =	sadd.s32 s7, s14;
	[sflag:s3] =	ssyncadd.s32 $0xFFFFC000  }
0x88: {  	[spmem:s4] =	stream.indirect.scatter.add.f32 [tilespmem:s20], [sflag:$0x7], $0x80, s21, s28, $0xb8;
	[tilespmem:$0x1C780] =	vst v63  }
0x89: {  	s22 =	sshll.u32 s14, $0xB;
	_ =	swait.ge [sflag:s23], $0x4000  }
0x8a: {  	s14 =	sshll.u32 s14, $0x4;
	s15 =	sand.u32 $0x1FFFF800, s22;
	[sflag:s23] =	ssyncset.done $0x0  }
0x8b: {  	s14 =	sand.u32 $0x1FFFFFF0, s14;
	s15 =	sadd.s32 s1, s15;
	[sflag:s23] =	ssyncadd.s32 $0xFFFFC000  }
0x8c: {  	[tilespmem:s20], [sflag:$0x2] =	stream.linear.gather [hbm4b:s15+s6], $0x4000, $0x38;
	[tilespmem:$0x1C780] =	vst v63  }
0x8d: {  	s14 =	sadd.s32 s2, s14  }
0x8e: {  	[tilespmem:s0], [sflag:$0x6] =	stream.linear.gather [hbm4b:s14+s6], $0x80, $0x38;
	[tilespmem:$0x1C780] =	vst v63  }
0x8f: {  	_ = 	snop  }
0x90: {  	[spmem:s5] =	stream.indirect.scatter.add.f32 [tilespmem:s30], [sflag:$0x7], $0x1, s21, s28, $0xb8;
	[tilespmem:$0x1C780] =	vst v63  }
0x91: {  	_ =	swait.ge [sflag:s23], $0x80  }
0x92: {  	[sflag:s23] =	ssyncset.done $0x0  }
0x93: {  	[sflag:s23] =	ssyncadd.s32 $0xFFFFFF80  }
0x94: {  	_ =	swait.ge [sflag:s25], $0x80  }
0x95: {  	[sflag:s25] =	ssyncset.done $0x0  }
0x96: {  	v2 =	vimm.s32 @!p1 $0x2710;
	[sflag:s25] =	ssyncadd.s32 $0xFFFFFF80  }
0x97: {  	[tilespmem:$0x8100] =	vst @!p1 v2  }
0x98: {  	[tilespmem:$0x8110] =	vst @!p1 v2  }
0x99: {  	[tilespmem:$0x8120] =	vst @!p1 v2  }
0x9a: {  	[tilespmem:$0x8130] =	vst @!p1 v2  }
0x9b: {  	[tilespmem:$0x8140] =	vst @!p1 v2  }
0x9c: {  	[tilespmem:$0x8150] =	vst @!p1 v2  }
0x9d: {  	[tilespmem:$0x8160] =	vst @!p1 v2  }
0x9e: {  	[tilespmem:$0x8170] =	vst @!p1 v2;
	p1 =	seq.s32 s13, $0x4C  }
0x9f: {  	_ =	swait.ge [sflag:s11], $0x4000;
	s14 =	sadd.s32 @!p1 $0x4, s13  }
0xa0: {  	[sflag:s11] =	ssyncset.done $0x0;
	p2 =	slt.s32 @!p1 s14, s8  }
0xa1: {  	[sflag:s11] =	ssyncadd.s32 $0xFFFFC000;
	p2 =	por !p2, p1  }
0xa2: {  	[spmem:s4] =	stream.indirect.scatter.add.f32 [tilespmem:s6], [sflag:$0x7], $0x80, s29, s28, $0xb8;
	[tilespmem:$0x1C780] =	vst v63  }
0xa3: {  	s14 =	simm.s32 @p2 $0x0  }
0xa4: {  	s14 =	sadd.s32 @!p1 s7, s14  }
0xa5: {  	s18 =	simm.s32 @!p1 $0x0;
	_ =	swait.ge [sflag:s23], $0x4000;
	s15 =	sshll.u32 @!p1 s14, $0xB  }
0xa6: {  	[sflag:s23] =	ssyncset.done $0x0;
	s14 =	sshll.u32 @!p1 s14, $0x4;
	s15 =	sand.u32 @!p1 $0x1FFFF800, s15  }
0xa7: {  	[sflag:s23] =	ssyncadd.s32 $0xFFFFC000;
	s14 =	sand.u32 @!p1 $0x1FFFFFF0, s14;
	s15 =	sadd.s32 @!p1 s1, s15  }
0xa8: {  	[tilespmem:s18], [sflag:$0x1] =	stream.linear.gather @!p1 [hbm4b:s15+s18], $0x4000, $0x38;
	[tilespmem:$0x1C780] =	vst v63  }
0xa9: {  	s14 =	sadd.s32 @!p1 s2, s14;
	s15 =	simm.s32 @!p1 $0x8000  }
0xaa: {  	[tilespmem:s15], [sflag:$0x3] =	stream.linear.gather @!p1 [hbm4b:s14+s18], $0x80, $0x38;
	[tilespmem:$0x1C780] =	vst v63  }
0xab: {  	_ = 	snop  }
0xac: {  	[spmem:s5] =	stream.indirect.scatter.add.f32 [tilespmem:s30], [sflag:$0x7], $0x1, s29, s28, $0xb8;
	[tilespmem:$0x1C780] =	vst v63  }
0xad: {  	_ =	swait.ge [sflag:s23], $0x80  }
0xae: {  	[sflag:s23] =	ssyncset.done $0x0  }
0xaf: {  	[sflag:s23] =	ssyncadd.s32 $0xFFFFFF80  }
0xb0: {  	_ =	swait.ge [sflag:s9], $0x80  }
0xb1: {  	[sflag:s9] =	ssyncset.done $0x0  }
0xb2: {  	v2 =	vimm.s32 @!p0 $0x2710;
	[sflag:s9] =	ssyncadd.s32 $0xFFFFFF80  }
0xb3: {  	[tilespmem:$0x8180] =	vst @!p0 v2  }
0xb4: {  	[tilespmem:$0x8190] =	vst @!p0 v2  }
0xb5: {  	[tilespmem:$0x81A0] =	vst @!p0 v2  }
0xb6: {  	[tilespmem:$0x81B0] =	vst @!p0 v2  }
0xb7: {  	[tilespmem:$0x81C0] =	vst @!p0 v2  }
0xb8: {  	[tilespmem:$0x81D0] =	vst @!p0 v2  }
0xb9: {  	s14 =	sadd.s32 @!p1 $0x5, s13;
	[tilespmem:$0x81E0] =	vst @!p0 v2  }
0xba: {  	[tilespmem:$0x81F0] =	vst @!p0 v2;
	p0 =	slt.s32 @!p1 s14, s8  }
0xbb: {  	_ =	swait.ge [sflag:s3], $0x4000;
	p0 =	por !p0, p1  }
0xbc: {  	[sflag:s3] =	ssyncset.done $0x0;
	s14 =	simm.s32 @p0 $0x0  }
0xbd: {  	s22 =	simm.s32 @!p1 $0x4000;
	[sflag:s3] =	ssyncadd.s32 $0xFFFFC000;
	s14 =	sadd.s32 @!p1 s7, s14  }
0xbe: {  	[spmem:s4] =	stream.indirect.scatter.add.f32 [tilespmem:s20], [sflag:$0x7], $0x80, s0, s28, $0xb8;
	[tilespmem:$0x1C780] =	vst v63  }
0xbf: {  	s13 =	sadd.s32 $0x4, s13;
	s15 =	sshll.u32 @!p1 s14, $0xB;
	_ =	swait.ge [sflag:s23], $0x4000  }
0xc0: {  	s14 =	sshll.u32 @!p1 s14, $0x4;
	s15 =	sand.u32 @!p1 $0x1FFFF800, s15;
	[sflag:s23] =	ssyncset.done $0x0  }
0xc1: {  	s14 =	sand.u32 @!p1 $0x1FFFFFF0, s14;
	s15 =	sadd.s32 @!p1 s1, s15;
	[sflag:s23] =	ssyncadd.s32 $0xFFFFC000  }
0xc2: {  	[tilespmem:s22], [sflag:$0x2] =	stream.linear.gather @!p1 [hbm4b:s15+s18], $0x4000, $0x38;
	[tilespmem:$0x1C780] =	vst v63  }
0xc3: {  	p0 =	sne.s32 s13, $0x50;
	s14 =	sadd.s32 @!p1 s2, s14;
	s15 =	simm.s32 @!p1 $0x8080  }
0xc4: {  	[tilespmem:s15], [sflag:$0x4] =	stream.linear.gather @!p1 [hbm4b:s14+s18], $0x80, $0x38;
	[tilespmem:$0x1C780] =	vst v63  }
.Ltmp0:
0xc5: {  	_ = 	snop;
	(pc) =	sbr.rel @p0 .LBB2_2-.Ltmp0, $4  }
0xc6: {  	[spmem:s5] =	stream.indirect.scatter.add.f32 [tilespmem:s30], [sflag:$0x7], $0x1, s0, s28, $0xb8;
	[tilespmem:$0x1C780] =	vst v63  }
0xc7: {  	_ =	swait.ge [sflag:s23], $0x80  }
0xc8: {  	[sflag:s23] =	ssyncset.done $0x0  }
0xc9: {  	[sflag:s23] =	ssyncadd.s32 $0xFFFFFF80  }
0xca: {  	[bflag:$0x0] =	sbarrier.arrive $0xFFFF  }
0xcb: {  	s13 =	rddreg [dreg:$0xf]  }
0xcc: {  	[hbm:s13], [sflag:s16] =	dma.local [spmem:s12], $0x2800  }
0xcd: {  	_ =	swait.ge [sflag:s23], $0x2800  }
0xce: {  	s15 =	sshrl.u32 s17, $0x3;
	[sflag:s23] =	ssyncset.done $0x0  }
0xcf: {  	s18 =	simm.s32 $0x20;
	s14 =	simm.s32 $0x10;
	[sflag:s23] =	ssyncadd.s32 $0xFFFFD800  }
0xd0: {  	[hbm:s24@s18], [sflag:s16] =	dma.strided [spmem:s15@s14], $0x50, s11, $0x10   }
0xd1: {  	_ =	swait.ge [sflag:s23], $0x50  }
0xd2: {  	s10 =	sadd.s32 $0x1, s10;
	s22 =	rddreg [dreg:$0xe]  }
0xd3: {  	p0 =	sne.s32 s10, s22  }
.Ltmp1:
0xd4: {  	_ = 	snop;
	(pc) =	sbr.rel @p0 .LBB2_1-.Ltmp1, $3  }
0xd5: {  	_ =	sdelay $0x1  }
0xd6: {  	[sflag:s23] =	ssyncset.done $0x0  }
0xd7: {  	[sflag:s23] =	ssyncadd.s32 $0xFFFFFFB0  }
0xd8: {  	_ =	sfence.sel $0x180000  }
0xd9: {  	[bflag:$0x0] =	sbarrier.arrive $0xFFFF  }
0xda: {  	_ =	strace $0x90000047  }
0xdb: {  	s0 =	stileid.u32;
	[bflag:$0x2] =	sbarrier.arrive $0xFFFF  }
0xdc: {  	p0 =	sne.s32 s0, $0x0;
	s0 =	rddreg [dreg:$0x6]  }
0xdd: {  	s0 =	sadd.s32 @!p0 $0x100000, s0  }
0xde: {  	[sflag:s0] =	ssyncadd.tile.s32 @!p0 $0x1;
	_ =	shalt  }
.Lfunc_end2:
_tile_overlayer_lowered:
.L_overlay_start_2:
0xdf: {  	(tag) =	ssettag $0x2  }
0xe0: {  	s0 =	rddreg [dreg:$0x0];
	s2 =	stileid.u32  }
0xe1: {  	s1 =	rddreg [dreg:$0x1];
	p0 =	sne.s32 s2, $0x0  }
0xe2: {  	s3 =	rddreg [dreg:$0x2];
	[bflag:$0x3] =	sbarrier.arrive $0xFFFF;
	s2 =	simm.s32 @!p0 $0x1C07  }
0xe3: {  	[timem:s3], [sflag:s2] =	dma.local @!p0 [hbm:s0], s1  }
0xe4: {  	s0 =	simm.s32 @!p0 $0x7  }
0xe5: {  	_ =	swait.ge @!p0 [sflag:s0], s1  }
0xe6: {  	s1 =	ssub.s32 @!p0 $0x0, s1;
	[sflag:s0] =	ssyncset.done @!p0 $0x0  }
0xe7: {  	[sflag:s0] =	ssyncadd.s32 @!p0 s1  }
0xe8: {  	[bflag:$0x3] =	sbarrier.arrive $0xFFFF  }
0xe9: {  	_ =	shalt  }

</sc_bundles>
